<compile_context>
chip_gen: v7x
topology: tpu7x:2x2x1
jax: 0.10.2.dev20260603
libtpu: 0.0.44.dev20260713+nightly
codegen_flags: <defaults>
</compile_context>

<pallas_src>
import functools

import jax
import jax.numpy as jnp
from jax import lax
from jax.experimental import pallas as pl
from jax.experimental.pallas import tpu as pltpu
from jax.experimental.pallas import tpu_sc as plsc

NC = 2
NS = 16
L = 16
CH = 128


def _sc_mesh():
    return plsc.VectorSubcoreMesh(core_axis_name="c", subcore_axis_name="s")


def _sc_degree(dst_p1, acc_rows):
    ep = dst_p1.shape[0]
    per_w = ep // (NC * NS)
    k_ch = per_w // CH
    rows_per_s = acc_rows // NS

    @functools.partial(
        pl.kernel,
        out_type=jax.ShapeDtypeStruct((NC, acc_rows, L), jnp.float32),
        mesh=_sc_mesh(),
        scratch_types=[
            pltpu.VMEM((CH,), jnp.int32),
            pltpu.VMEM((CH, L), jnp.float32),
            pltpu.VMEM_SHARED((acc_rows, L), jnp.float32),
        ],
    )
    def k(dst_hbm, out_hbm, idx_v, ones_v, acc_sh):
        cid = lax.axis_index("c")
        sid = lax.axis_index("s")
        zero = jnp.zeros((L,), jnp.float32)
        one = jnp.ones((L,), jnp.float32)

        @pl.loop(0, CH)
        def _(r):
            ones_v[r, pl.ds(0, L)] = zero

        @pl.loop(0, rows_per_s // CH)
        def _(j):
            pltpu.sync_copy(ones_v,
                            acc_sh.at[pl.ds(sid * rows_per_s + j * CH, CH)])

        @pl.loop(0, CH)
        def _(r):
            ones_v[r, pl.ds(0, L)] = one

        plsc.subcore_barrier()

        base0 = cid * (per_w * NS) + sid * per_w

        @pl.loop(0, k_ch)
        def _(kk):
            pltpu.sync_copy(dst_hbm.at[pl.ds(base0 + kk * CH, CH)], idx_v)
            pltpu.sync_copy(ones_v, acc_sh.at[idx_v], add=True)

        plsc.subcore_barrier()

        @pl.loop(0, rows_per_s // CH)
        def _(j):
            r0 = sid * rows_per_s + j * CH
            pltpu.sync_copy(acc_sh.at[pl.ds(r0, CH)],
                            out_hbm.at[cid, pl.ds(r0, CH)])

    return k(dst_p1)


def _sc_aggregate(g, src_p2, dst_p2, acc_rows, k_fast, k_slow):
    d = g.shape[1]
    rows_per_s = acc_rows // NS

    @functools.partial(
        pl.kernel,
        out_type=jax.ShapeDtypeStruct((NC, acc_rows, d), jnp.float32),
        mesh=_sc_mesh(),
        scratch_types=[
            pltpu.VMEM((CH,), jnp.int32),
            pltpu.VMEM((CH,), jnp.int32),
            pltpu.VMEM((CH,), jnp.int32),
            pltpu.VMEM((CH,), jnp.int32),
            pltpu.VMEM((CH, d), jnp.float32),
            pltpu.VMEM((CH, d), jnp.float32),
            pltpu.VMEM_SHARED((acc_rows, d), jnp.float32),
            pltpu.SemaphoreType.DMA,
            pltpu.SemaphoreType.DMA,
        ],
    )
    def k(g_hbm, src_hbm, dst_hbm, out_hbm,
          src_a, src_b, dst_a, dst_b, rows_a, rows_b, acc_sh, sem_a, sem_b):
        cid = lax.axis_index("c")
        sid = lax.axis_index("s")
        zero = jnp.zeros((L,), jnp.float32)

        @pl.loop(0, CH)
        def _(r):
            @pl.loop(0, d // L)
            def _(cc):
                rows_a[r, pl.ds(cc * L, L)] = zero

        @pl.loop(0, rows_per_s // CH)
        def _(j):
            pltpu.sync_copy(rows_a,
                            acc_sh.at[pl.ds(sid * rows_per_s + j * CH, CH)])

        row0 = jnp.where(cid == 0, sid * k_fast, NS * k_fast + sid * k_slow)
        my_k = jnp.where(cid == 0, k_fast, k_slow)

        plsc.subcore_barrier()

        pltpu.sync_copy(src_hbm.at[row0], src_a)
        pltpu.make_async_copy(g_hbm.at[src_a], rows_a, sem_a).start()

        @pl.loop(0, max(k_fast, k_slow) // 2)
        def _(kk):
            k0 = 2 * kk

            @pl.when(k0 < my_k)
            def _():
                pltpu.sync_copy(src_hbm.at[row0 + k0 + 1], src_b)
                pltpu.make_async_copy(g_hbm.at[src_b], rows_b, sem_b).start()
                pltpu.sync_copy(dst_hbm.at[row0 + k0], dst_a)
                pltpu.sync_copy(dst_hbm.at[row0 + k0 + 1], dst_b)
                pltpu.make_async_copy(g_hbm.at[src_a], rows_a, sem_a).wait()
                pltpu.sync_copy(rows_a, acc_sh.at[dst_a], add=True)

            @pl.when(k0 + 2 < my_k)
            def _():
                pltpu.sync_copy(src_hbm.at[row0 + k0 + 2], src_a)
                pltpu.make_async_copy(g_hbm.at[src_a], rows_a, sem_a).start()

            @pl.when(k0 < my_k)
            def _():
                pltpu.make_async_copy(g_hbm.at[src_b], rows_b, sem_b).wait()
                pltpu.sync_copy(rows_b, acc_sh.at[dst_b], add=True)

        plsc.subcore_barrier()

        @pl.loop(0, rows_per_s // CH)
        def _(j):
            r0 = sid * rows_per_s + j * CH
            pltpu.sync_copy(acc_sh.at[pl.ds(r0, CH)],
                            out_hbm.at[cid, pl.ds(r0, CH)])

    return k(g, src_p2, dst_p2)


def _tc_matmul(x, w):
    n, d_in = x.shape
    d_out = w.shape[1]
    blk = 2000

    def body(x_ref, w_ref, o_ref):
        o_ref[...] = jnp.dot(x_ref[...], w_ref[...],
                             preferred_element_type=jnp.float32)

    return pl.pallas_call(
        body,
        grid=(n // blk,),
        in_specs=[pl.BlockSpec((blk, d_in), lambda i: (i, 0)),
                  pl.BlockSpec((d_in, d_out), lambda i: (0, 0))],
        out_specs=pl.BlockSpec((blk, d_out), lambda i: (i, 0)),
        out_shape=jax.ShapeDtypeStruct((n, d_out), jnp.float32),
    )(x, w)


def _tc_scale(h, deg_parts):
    n, d = h.shape
    blk = 2000

    def body(h_ref, p0_ref, p1_ref, g_ref):
        deg = 1.0 + p0_ref[0, :, 0] + p1_ref[0, :, 0]
        g_ref[...] = h_ref[...] * lax.rsqrt(deg)[:, None]

    return pl.pallas_call(
        body,
        grid=(n // blk,),
        in_specs=[pl.BlockSpec((blk, d), lambda i: (i, 0)),
                  pl.BlockSpec((1, blk, L), lambda i: (0, i, 0)),
                  pl.BlockSpec((1, blk, L), lambda i: (1, i, 0))],
        out_specs=pl.BlockSpec((blk, d), lambda i: (i, 0)),
        out_shape=jax.ShapeDtypeStruct((n, d), jnp.float32),
    )(h, deg_parts, deg_parts)


def _tc_final(agg_parts, deg_parts, h, b2):
    n, d = h.shape
    blk = 2000

    def body(a0_ref, a1_ref, p0_ref, p1_ref, h_ref, b_ref, y_ref):
        deg = 1.0 + p0_ref[0, :, 0] + p1_ref[0, :, 0]
        dinv = lax.rsqrt(deg)
        aggr = a0_ref[0] + a1_ref[0]
        s = (aggr * dinv[:, None] + h_ref[...] * (1.0 / deg)[:, None]
             + b_ref[...])
        s = s - jnp.max(s, axis=1, keepdims=True)
        e = jnp.exp(s)
        y_ref[...] = e / jnp.sum(e, axis=1, keepdims=True)

    return pl.pallas_call(
        body,
        grid=(n // blk,),
        in_specs=[pl.BlockSpec((1, blk, d), lambda i: (0, i, 0)),
                  pl.BlockSpec((1, blk, d), lambda i: (1, i, 0)),
                  pl.BlockSpec((1, blk, L), lambda i: (0, i, 0)),
                  pl.BlockSpec((1, blk, L), lambda i: (1, i, 0)),
                  pl.BlockSpec((blk, d), lambda i: (i, 0)),
                  pl.BlockSpec((1, d), lambda i: (0, 0))],
        out_specs=pl.BlockSpec((blk, d), lambda i: (i, 0)),
        out_shape=jax.ShapeDtypeStruct((n, d), jnp.float32),
    )(agg_parts, agg_parts, deg_parts, deg_parts, h, b2)


def kernel(x, edge_index, W, b):
    n = x.shape[0]
    e = edge_index.shape[1]
    src = edge_index[0].astype(jnp.int32)
    dst = edge_index[1].astype(jnp.int32)

    step = 2 * NC * NS * CH
    ep = ((e + step - 1) // step) * step
    pad = ep - e
    src_p1 = jnp.concatenate([src, jnp.zeros((pad,), jnp.int32)])
    dst_p1 = jnp.concatenate([dst, jnp.full((pad,), n, jnp.int32)])
    src_p2 = src_p1.reshape(ep // CH, CH)
    dst_p2 = dst_p1.reshape(ep // CH, CH)

    acc_rows = ((n + 1 + NS * CH - 1) // (NS * CH)) * (NS * CH)

    deg_parts = _sc_degree(dst_p1, acc_rows)
    h = _tc_matmul(x, W)
    g = _tc_scale(h, deg_parts)
    n_chunks = ep // CH
    k_fast = (((n_chunks * 4) // 5) // (2 * NS)) * 2
    k_slow = n_chunks // NS - k_fast
    agg_parts = _sc_aggregate(g, src_p2, dst_p2, acc_rows, k_fast, k_slow)
    return _tc_final(agg_parts, deg_parts, h, b.reshape(1, -1))

# --- scband reference (transcript-rebuilt; emitter-appended) ---
"""Pipeline reference for scband-gcn-42408507080882 (READ-ONLY COPY).

The authoritative reference and input builder live on the scoring server;
editing this copy changes nothing except your own understanding.
"""

import jax, jax.numpy as jnp
import numpy as np

N_NODES = 10000
N_EDGES = 320000
D_IN = 128
D_OUT = 128

def setup_inputs(seed: int = 0) -> dict:
    key = jax.random.key(seed)
    k1, k2, k3, k4 = jax.random.split(key, 4)
    x = jax.random.normal(k1, (N_NODES, D_IN), dtype=jnp.float32)
    edge_index = jax.random.randint(k2, (2, N_EDGES), 0, N_NODES, dtype=jnp.int64)
    # GCNConv learned parameters (glorot-style scale)
    W = jax.random.normal(k3, (D_IN, D_OUT), dtype=jnp.float32) * (1.0 / np.sqrt(D_IN))
    b = jnp.zeros((D_OUT,), dtype=jnp.float32)
    return {"x": x, "edge_index": edge_index, "W": W, "b": b}

def reference(x, edge_index, W, b):
    # Faithful GCNConv: y = softmax(D^{-1/2} (A + I) D^{-1/2} X W + b)
    N = x.shape[0]
    src = edge_index[0]
    dst = edge_index[1]
    # add self loops
    loop = jnp.arange(N, dtype=edge_index.dtype)
    src = jnp.concatenate([src, loop], axis=0)
    dst = jnp.concatenate([dst, loop], axis=0)
    # degree (with unit edge weights) computed on destination nodes
    deg = jnp.zeros((N,), dtype=x.dtype).at[dst].add(1.0)
    deg_inv_sqrt = jnp.where(deg > 0, deg ** -0.5, 0.0)
    norm = deg_inv_sqrt[src] * deg_inv_sqrt[dst]
    # linear transform first (PyG default), then propagate
    h = x @ W
    msg = h[src] * norm[:, None]
    agg = jnp.zeros((N, h.shape[1]), dtype=h.dtype).at[dst].add(msg)
    out = agg + b
    y = jax.nn.softmax(out, axis=1)
    return y

if __name__ == "__main__":
    import jax
    _d = setup_inputs()
    print(jax.jit(kernel)(*tuple(_d.values())))

</pallas_src>

<mosaic_0001>
#map = affine_map<(d0, d1) -> (0, 0)>
#map1 = affine_map<(d0, d1) -> (0, 0, 0)>
module attributes {stable_mosaic.version = 14 : i64} {
  func.func @k(%arg0: i32, %arg1: i32, %arg2: memref<10000x128xf32, #tpu.memory_space<hbm>>, %arg3: memref<2560x128xi32, #tpu.memory_space<hbm>>, %arg4: memref<2560x128xi32, #tpu.memory_space<hbm>>, %arg5: memref<2x10240x128xf32, #tpu.memory_space<hbm>>, %arg6: memref<128xi32, #tpu.memory_space<vmem>>, %arg7: memref<128xi32, #tpu.memory_space<vmem>>, %arg8: memref<128xi32, #tpu.memory_space<vmem>>, %arg9: memref<128xi32, #tpu.memory_space<vmem>>, %arg10: memref<128x128xf32, #tpu.memory_space<vmem>>, %arg11: memref<128x128xf32, #tpu.memory_space<vmem>>, %arg12: memref<10240x128xf32, #tpu.memory_space<vmem_shared>>, %arg13: memref<!tpu.dma_semaphore, #tpu.memory_space<semaphore_mem>>, %arg14: memref<!tpu.dma_semaphore, #tpu.memory_space<semaphore_mem>>) attributes {dimension_semantics = [#tpu.dimension_semantics<core_parallel>, #tpu.dimension_semantics<subcore_parallel>], iteration_bounds = array<i64: 2, 16>, scalar_prefetch = 0 : i64, scratch_operands = 9 : i64, tpu.core_type = #tpu.core_type<sc_vector_subcore>, window_params = [{transform_indices = #map}, {transform_indices = #map}, {transform_indices = #map}, {transform_indices = #map1}]} {
    %broadcast_in_dim3A = arith.constant 0.000000e+00 : f32
    %broadcast_in_dim3A_0 = vector.broadcast %broadcast_in_dim3A : f32 to vector<16xf32>
    %scan3A = arith.constant 0 : i32
    %scan3A_1 = arith.constant 128 : i32
    %scan3A_2 = arith.addi %scan3A, %scan3A_1 : i32
    %scan3A_3 = arith.constant 1 : i32
    scf.for %scan3A_32 = %scan3A to %scan3A_2 step %scan3A_3  : i32 {
      %mul3A_33 = arith.constant 1 : i32
      %mul3A_34 = arith.muli %scan3A_32, %mul3A_33 : i32
      %add3A_35 = arith.constant 0 : i32
      %add3A_36 = arith.addi %add3A_35, %mul3A_34 : i32
      %scan3A_37 = arith.constant 0 : i32
      %scan3A_38 = arith.constant 8 : i32
      %scan3A_39 = arith.addi %scan3A_37, %scan3A_38 : i32
      %scan3A_40 = arith.constant 1 : i32
      scf.for %scan3A_42 = %scan3A_37 to %scan3A_39 step %scan3A_40  : i32 {
        %mul3A_43 = arith.constant 1 : i32
        %mul3A_44 = arith.muli %scan3A_42, %mul3A_43 : i32
        %add3A_45 = arith.constant 0 : i32
        %add3A_46 = arith.addi %add3A_45, %mul3A_44 : i32
        %mul3A_47 = arith.constant 16 : i32
        %mul3A_48 = arith.muli %add3A_46, %mul3A_47 : i32
        %swap3A = arith.index_cast %add3A_36 : i32 to index
        %swap3A_49 = arith.index_cast %mul3A_48 : i32 to index
        %swap3A_50 = tpu.vector_load %arg10[%swap3A, %swap3A_49] {strides = array<i32>} : memref<128x128xf32, #tpu.memory_space<vmem>>, vector<1x16xf32>,
        %swap3A_51 = vector.shape_cast %swap3A_50 : vector<1x16xf32> to vector<16xf32>
        %swap3A_52 = vector.shape_cast %broadcast_in_dim3A_0 : vector<16xf32> to vector<1x16xf32>
        tpu.vector_store %arg10[%swap3A, %swap3A_49], %swap3A_52 {strides = array<i32>} : memref<128x128xf32, #tpu.memory_space<vmem>>, vector<1x16xf32>,
      }
      %scan3A_41 = arith.constant 8 : i32
    }
    %scan3A_4 = arith.constant 128 : i32
    %scan3A_5 = arith.constant 0 : i32
    %scan3A_6 = arith.constant 5 : i32
    %scan3A_7 = arith.addi %scan3A_5, %scan3A_6 : i32
    %scan3A_8 = arith.constant 1 : i32
    scf.for %scan3A_32 = %scan3A_5 to %scan3A_7 step %scan3A_8  : i32 {
      %mul3A_33 = arith.constant 1 : i32
      %mul3A_34 = arith.muli %scan3A_32, %mul3A_33 : i32
      %add3A_35 = arith.constant 0 : i32
      %add3A_36 = arith.addi %add3A_35, %mul3A_34 : i32
      %mul3A_37 = arith.constant 640 : i32
      %mul3A_38 = arith.muli %arg1, %mul3A_37 : i32
      %mul3A_39 = arith.constant 128 : i32
      %mul3A_40 = arith.muli %add3A_36, %mul3A_39 : i32
      %add3A_41 = arith.addi %mul3A_38, %mul3A_40 : i32
      "tpu.region"() ({
        %run_scoped3A = tpu.sem_alloc : memref<!tpu.dma_semaphore, #tpu.memory_space<semaphore_mem>>
        %dma_start3A_42 = arith.constant 0 : i32
        %dma_start3A_43 = tpu.memref_slice %arg12[%add3A_41, %dma_start3A_42] : memref<10240x128xf32, #tpu.memory_space<vmem_shared>> -> memref<128x128xf32, #tpu.memory_space<vmem_shared>>
        %dma_start3A_44 = arith.constant 0 : i32
        %dma_start3A_45 = tpu.memref_slice %arg12[%add3A_41, %dma_start3A_44] : memref<10240x128xf32, #tpu.memory_space<vmem_shared>> -> memref<128x128xf32, #tpu.memory_space<vmem_shared>>
        tpu.enqueue_dma source(%arg10 : memref<128x128xf32, #tpu.memory_space<vmem>>) target(%dma_start3A_45 : memref<128x128xf32, #tpu.memory_space<vmem_shared>>) target_semaphore(%run_scoped3A : memref<!tpu.dma_semaphore, #tpu.memory_space<semaphore_mem>>)
        %dma_wait3A = arith.constant 0 : i32
        %dma_wait3A_46 = tpu.memref_slice %arg12[%add3A_41, %dma_wait3A] : memref<10240x128xf32, #tpu.memory_space<vmem_shared>> -> memref<128x128xf32, #tpu.memory_space<vmem_shared>>
        %dma_wait3A_47 = arith.constant 0 : i32
        %dma_wait3A_48 = tpu.memref_slice %arg12[%add3A_41, %dma_wait3A_47] : memref<10240x128xf32, #tpu.memory_space<vmem_shared>> -> memref<128x128xf32, #tpu.memory_space<vmem_shared>>
        tpu.wait_dma2 semaphore(%run_scoped3A : memref<!tpu.dma_semaphore, #tpu.memory_space<semaphore_mem>>) src(%arg10 : memref<128x128xf32, #tpu.memory_space<vmem>>) dst(%dma_wait3A_48 : memref<128x128xf32, #tpu.memory_space<vmem_shared>>)
        tpu.yield
      }) : () -> ()
    }
    %scan3A_9 = arith.constant 5 : i32
    %eq3A = arith.constant 0 : i32
    %eq3A_10 = arith.cmpi eq, %arg0, %eq3A : i32
    %mul3A = arith.constant 128 : i32
    %mul3A_11 = arith.muli %arg1, %mul3A : i32
    %mul3A_12 = arith.constant 32 : i32
    %mul3A_13 = arith.muli %arg1, %mul3A_12 : i32
    %add3A = arith.constant 2048 : i32
    %add3A_14 = arith.addi %add3A, %mul3A_13 : i32
    %select_n3A = arith.select %eq3A_10, %mul3A_11, %add3A_14 : i32
    %eq3A_15 = arith.constant 0 : i32
    %eq3A_16 = arith.cmpi eq, %arg0, %eq3A_15 : i32
    %jit3A = arith.constant 128 : i32
    %jit3A_17 = arith.constant 32 : i32
    %select_n3A_18 = arith.select %eq3A_16, %jit3A, %jit3A_17 : i32
    %barrier3A = arith.constant 0 : index
    tpu.barrier barrier_id(%barrier3A)
    "tpu.region"() ({
      %run_scoped3A = tpu.sem_alloc : memref<!tpu.dma_semaphore, #tpu.memory_space<semaphore_mem>>
      %dma_start3A_32 = arith.constant 0 : i32
      %dma_start3A_33 = tpu.memref_slice %arg3[%select_n3A, %dma_start3A_32] : memref<2560x128xi32, #tpu.memory_space<hbm>> -> memref<1x128xi32, #tpu.memory_space<hbm>>
      %dma_start3A_34 = tpu.memref_squeeze %dma_start3A_33 : memref<1x128xi32, #tpu.memory_space<hbm>> -> memref<128xi32, #tpu.memory_space<hbm>>
      %dma_start3A_35 = arith.constant 0 : i32
      %dma_start3A_36 = tpu.memref_slice %arg3[%select_n3A, %dma_start3A_35] : memref<2560x128xi32, #tpu.memory_space<hbm>> -> memref<1x128xi32, #tpu.memory_space<hbm>>
      %dma_start3A_37 = tpu.memref_squeeze %dma_start3A_36 : memref<1x128xi32, #tpu.memory_space<hbm>> -> memref<128xi32, #tpu.memory_space<hbm>>
      tpu.enqueue_dma source(%dma_start3A_37 : memref<128xi32, #tpu.memory_space<hbm>>) target(%arg6 : memref<128xi32, #tpu.memory_space<vmem>>) target_semaphore(%run_scoped3A : memref<!tpu.dma_semaphore, #tpu.memory_space<semaphore_mem>>)
      %dma_wait3A = arith.constant 0 : i32
      %dma_wait3A_38 = tpu.memref_slice %arg3[%select_n3A, %dma_wait3A] : memref<2560x128xi32, #tpu.memory_space<hbm>> -> memref<1x128xi32, #tpu.memory_space<hbm>>
      %dma_wait3A_39 = tpu.memref_squeeze %dma_wait3A_38 : memref<1x128xi32, #tpu.memory_space<hbm>> -> memref<128xi32, #tpu.memory_space<hbm>>
      %dma_wait3A_40 = arith.constant 0 : i32
      %dma_wait3A_41 = tpu.memref_slice %arg3[%select_n3A, %dma_wait3A_40] : memref<2560x128xi32, #tpu.memory_space<hbm>> -> memref<1x128xi32, #tpu.memory_space<hbm>>
      %dma_wait3A_42 = tpu.memref_squeeze %dma_wait3A_41 : memref<1x128xi32, #tpu.memory_space<hbm>> -> memref<128xi32, #tpu.memory_space<hbm>>
      tpu.wait_dma2 semaphore(%run_scoped3A : memref<!tpu.dma_semaphore, #tpu.memory_space<semaphore_mem>>) src(%dma_wait3A_42 : memref<128xi32, #tpu.memory_space<hbm>>) dst(%arg6 : memref<128xi32, #tpu.memory_space<vmem>>)
      tpu.yield
    }) : () -> ()
    %dma_start3A = arith.constant 0 : i32
    %dma_start3A_19 = arith.constant 0 : i32
    %dma_start3A_20 = tpu.memref_slice %arg2[%dma_start3A, %dma_start3A_19] : memref<10000x128xf32, #tpu.memory_space<hbm>> -> memref<10000x128xf32, #tpu.memory_space<hbm>>
    tpu.enqueue_indirect_dma source(%dma_start3A_20 : memref<10000x128xf32, #tpu.memory_space<hbm>>) target(%arg10 : memref<128x128xf32, #tpu.memory_space<vmem>>) offsets(%arg6 : memref<128xi32, #tpu.memory_space<vmem>>) semaphore(%arg13 : memref<!tpu.dma_semaphore, #tpu.memory_space<semaphore_mem>>)
    %scan3A_21 = arith.constant 0 : i32
    %scan3A_22 = arith.constant 64 : i32
    %scan3A_23 = arith.addi %scan3A_21, %scan3A_22 : i32
    %scan3A_24 = arith.constant 1 : i32
    scf.for %scan3A_32 = %scan3A_21 to %scan3A_23 step %scan3A_24  : i32 {
      %mul3A_33 = arith.constant 1 : i32
      %mul3A_34 = arith.muli %scan3A_32, %mul3A_33 : i32
      %add3A_35 = arith.constant 0 : i32
      %add3A_36 = arith.addi %add3A_35, %mul3A_34 : i32
      %mul3A_37 = arith.constant 2 : i32
      %mul3A_38 = arith.muli %mul3A_37, %add3A_36 : i32
      %lt3A = arith.cmpi slt, %mul3A_38, %select_n3A_18 : i32
      %convert_element_type3A = arith.extui %lt3A : i1 to i32
      %cond3A = arith.constant 0 : i32
      %cond3A_39 = arith.cmpi ne, %convert_element_type3A, %cond3A : i32
      scf.if %cond3A_39 {
        %add3A_50 = arith.addi %select_n3A, %mul3A_38 : i32
        %add3A_51 = arith.constant 1 : i32
        %add3A_52 = arith.addi %add3A_50, %add3A_51 : i32
        "tpu.region"() ({
          %run_scoped3A = tpu.sem_alloc : memref<!tpu.dma_semaphore, #tpu.memory_space<semaphore_mem>>
          %dma_start3A_62 = arith.constant 0 : i32
          %dma_start3A_63 = tpu.memref_slice %arg3[%add3A_52, %dma_start3A_62] : memref<2560x128xi32, #tpu.memory_space<hbm>> -> memref<1x128xi32, #tpu.memory_space<hbm>>
          %dma_start3A_64 = tpu.memref_squeeze %dma_start3A_63 : memref<1x128xi32, #tpu.memory_space<hbm>> -> memref<128xi32, #tpu.memory_space<hbm>>
          %dma_start3A_65 = arith.constant 0 : i32
          %dma_start3A_66 = tpu.memref_slice %arg3[%add3A_52, %dma_start3A_65] : memref<2560x128xi32, #tpu.memory_space<hbm>> -> memref<1x128xi32, #tpu.memory_space<hbm>>
          %dma_start3A_67 = tpu.memref_squeeze %dma_start3A_66 : memref<1x128xi32, #tpu.memory_space<hbm>> -> memref<128xi32, #tpu.memory_space<hbm>>
          tpu.enqueue_dma source(%dma_start3A_67 : memref<128xi32, #tpu.memory_space<hbm>>) target(%arg7 : memref<128xi32, #tpu.memory_space<vmem>>) target_semaphore(%run_scoped3A : memref<!tpu.dma_semaphore, #tpu.memory_space<semaphore_mem>>)
          %dma_wait3A_68 = arith.constant 0 : i32
          %dma_wait3A_69 = tpu.memref_slice %arg3[%add3A_52, %dma_wait3A_68] : memref<2560x128xi32, #tpu.memory_space<hbm>> -> memref<1x128xi32, #tpu.memory_space<hbm>>
          %dma_wait3A_70 = tpu.memref_squeeze %dma_wait3A_69 : memref<1x128xi32, #tpu.memory_space<hbm>> -> memref<128xi32, #tpu.memory_space<hbm>>
          %dma_wait3A_71 = arith.constant 0 : i32
          %dma_wait3A_72 = tpu.memref_slice %arg3[%add3A_52, %dma_wait3A_71] : memref<2560x128xi32, #tpu.memory_space<hbm>> -> memref<1x128xi32, #tpu.memory_space<hbm>>
          %dma_wait3A_73 = tpu.memref_squeeze %dma_wait3A_72 : memref<1x128xi32, #tpu.memory_space<hbm>> -> memref<128xi32, #tpu.memory_space<hbm>>
          tpu.wait_dma2 semaphore(%run_scoped3A : memref<!tpu.dma_semaphore, #tpu.memory_space<semaphore_mem>>) src(%dma_wait3A_73 : memref<128xi32, #tpu.memory_space<hbm>>) dst(%arg7 : memref<128xi32, #tpu.memory_space<vmem>>)
          tpu.yield
        }) : () -> ()
        %dma_start3A_53 = arith.constant 0 : i32
        %dma_start3A_54 = arith.constant 0 : i32
        %dma_start3A_55 = tpu.memref_slice %arg2[%dma_start3A_53, %dma_start3A_54] : memref<10000x128xf32, #tpu.memory_space<hbm>> -> memref<10000x128xf32, #tpu.memory_space<hbm>>
        tpu.enqueue_indirect_dma source(%dma_start3A_55 : memref<10000x128xf32, #tpu.memory_space<hbm>>) target(%arg11 : memref<128x128xf32, #tpu.memory_space<vmem>>) offsets(%arg7 : memref<128xi32, #tpu.memory_space<vmem>>) semaphore(%arg14 : memref<!tpu.dma_semaphore, #tpu.memory_space<semaphore_mem>>)
        %add3A_56 = arith.addi %select_n3A, %mul3A_38 : i32
        "tpu.region"() ({
          %run_scoped3A = tpu.sem_alloc : memref<!tpu.dma_semaphore, #tpu.memory_space<semaphore_mem>>
          %dma_start3A_62 = arith.constant 0 : i32
          %dma_start3A_63 = tpu.memref_slice %arg4[%add3A_56, %dma_start3A_62] : memref<2560x128xi32, #tpu.memory_space<hbm>> -> memref<1x128xi32, #tpu.memory_space<hbm>>
          %dma_start3A_64 = tpu.memref_squeeze %dma_start3A_63 : memref<1x128xi32, #tpu.memory_space<hbm>> -> memref<128xi32, #tpu.memory_space<hbm>>
          %dma_start3A_65 = arith.constant 0 : i32
          %dma_start3A_66 = tpu.memref_slice %arg4[%add3A_56, %dma_start3A_65] : memref<2560x128xi32, #tpu.memory_space<hbm>> -> memref<1x128xi32, #tpu.memory_space<hbm>>
          %dma_start3A_67 = tpu.memref_squeeze %dma_start3A_66 : memref<1x128xi32, #tpu.memory_space<hbm>> -> memref<128xi32, #tpu.memory_space<hbm>>
          tpu.enqueue_dma source(%dma_start3A_67 : memref<128xi32, #tpu.memory_space<hbm>>) target(%arg8 : memref<128xi32, #tpu.memory_space<vmem>>) target_semaphore(%run_scoped3A : memref<!tpu.dma_semaphore, #tpu.memory_space<semaphore_mem>>)
          %dma_wait3A_68 = arith.constant 0 : i32
          %dma_wait3A_69 = tpu.memref_slice %arg4[%add3A_56, %dma_wait3A_68] : memref<2560x128xi32, #tpu.memory_space<hbm>> -> memref<1x128xi32, #tpu.memory_space<hbm>>
          %dma_wait3A_70 = tpu.memref_squeeze %dma_wait3A_69 : memref<1x128xi32, #tpu.memory_space<hbm>> -> memref<128xi32, #tpu.memory_space<hbm>>
          %dma_wait3A_71 = arith.constant 0 : i32
          %dma_wait3A_72 = tpu.memref_slice %arg4[%add3A_56, %dma_wait3A_71] : memref<2560x128xi32, #tpu.memory_space<hbm>> -> memref<1x128xi32, #tpu.memory_space<hbm>>
          %dma_wait3A_73 = tpu.memref_squeeze %dma_wait3A_72 : memref<1x128xi32, #tpu.memory_space<hbm>> -> memref<128xi32, #tpu.memory_space<hbm>>
          tpu.wait_dma2 semaphore(%run_scoped3A : memref<!tpu.dma_semaphore, #tpu.memory_space<semaphore_mem>>) src(%dma_wait3A_73 : memref<128xi32, #tpu.memory_space<hbm>>) dst(%arg8 : memref<128xi32, #tpu.memory_space<vmem>>)
          tpu.yield
        }) : () -> ()
        %add3A_57 = arith.addi %select_n3A, %mul3A_38 : i32
        %add3A_58 = arith.constant 1 : i32
        %add3A_59 = arith.addi %add3A_57, %add3A_58 : i32
        "tpu.region"() ({
          %run_scoped3A = tpu.sem_alloc : memref<!tpu.dma_semaphore, #tpu.memory_space<semaphore_mem>>
          %dma_start3A_62 = arith.constant 0 : i32
          %dma_start3A_63 = tpu.memref_slice %arg4[%add3A_59, %dma_start3A_62] : memref<2560x128xi32, #tpu.memory_space<hbm>> -> memref<1x128xi32, #tpu.memory_space<hbm>>
          %dma_start3A_64 = tpu.memref_squeeze %dma_start3A_63 : memref<1x128xi32, #tpu.memory_space<hbm>> -> memref<128xi32, #tpu.memory_space<hbm>>
          %dma_start3A_65 = arith.constant 0 : i32
          %dma_start3A_66 = tpu.memref_slice %arg4[%add3A_59, %dma_start3A_65] : memref<2560x128xi32, #tpu.memory_space<hbm>> -> memref<1x128xi32, #tpu.memory_space<hbm>>
          %dma_start3A_67 = tpu.memref_squeeze %dma_start3A_66 : memref<1x128xi32, #tpu.memory_space<hbm>> -> memref<128xi32, #tpu.memory_space<hbm>>
          tpu.enqueue_dma source(%dma_start3A_67 : memref<128xi32, #tpu.memory_space<hbm>>) target(%arg9 : memref<128xi32, #tpu.memory_space<vmem>>) target_semaphore(%run_scoped3A : memref<!tpu.dma_semaphore, #tpu.memory_space<semaphore_mem>>)
          %dma_wait3A_68 = arith.constant 0 : i32
          %dma_wait3A_69 = tpu.memref_slice %arg4[%add3A_59, %dma_wait3A_68] : memref<2560x128xi32, #tpu.memory_space<hbm>> -> memref<1x128xi32, #tpu.memory_space<hbm>>
          %dma_wait3A_70 = tpu.memref_squeeze %dma_wait3A_69 : memref<1x128xi32, #tpu.memory_space<hbm>> -> memref<128xi32, #tpu.memory_space<hbm>>
          %dma_wait3A_71 = arith.constant 0 : i32
          %dma_wait3A_72 = tpu.memref_slice %arg4[%add3A_59, %dma_wait3A_71] : memref<2560x128xi32, #tpu.memory_space<hbm>> -> memref<1x128xi32, #tpu.memory_space<hbm>>
          %dma_wait3A_73 = tpu.memref_squeeze %dma_wait3A_72 : memref<1x128xi32, #tpu.memory_space<hbm>> -> memref<128xi32, #tpu.memory_space<hbm>>
          tpu.wait_dma2 semaphore(%run_scoped3A : memref<!tpu.dma_semaphore, #tpu.memory_space<semaphore_mem>>) src(%dma_wait3A_73 : memref<128xi32, #tpu.memory_space<hbm>>) dst(%arg9 : memref<128xi32, #tpu.memory_space<vmem>>)
          tpu.yield
        }) : () -> ()
        %dma_wait3A = arith.constant 0 : i32
        %dma_wait3A_60 = arith.constant 0 : i32
        %dma_wait3A_61 = tpu.memref_slice %arg2[%dma_wait3A, %dma_wait3A_60] : memref<10000x128xf32, #tpu.memory_space<hbm>> -> memref<10000x128xf32, #tpu.memory_space<hbm>>
        tpu.wait_indirect_dma semaphore(%arg13 : memref<!tpu.dma_semaphore, #tpu.memory_space<semaphore_mem>>) src(%dma_wait3A_61 : memref<10000x128xf32, #tpu.memory_space<hbm>>) dst(%arg10 : memref<128x128xf32, #tpu.memory_space<vmem>>)
        "tpu.region"() ({
          %run_scoped3A = tpu.sem_alloc : memref<!tpu.dma_semaphore, #tpu.memory_space<semaphore_mem>>
          %dma_start3A_62 = arith.constant 0 : i32
          %dma_start3A_63 = arith.constant 0 : i32
          %dma_start3A_64 = tpu.memref_slice %arg12[%dma_start3A_62, %dma_start3A_63] : memref<10240x128xf32, #tpu.memory_space<vmem_shared>> -> memref<10240x128xf32, #tpu.memory_space<vmem_shared>>
          tpu.enqueue_indirect_dma source(%arg10 : memref<128x128xf32, #tpu.memory_space<vmem>>) target(%dma_start3A_64 : memref<10240x128xf32, #tpu.memory_space<vmem_shared>>) offsets(%arg8 : memref<128xi32, #tpu.memory_space<vmem>>) semaphore(%run_scoped3A : memref<!tpu.dma_semaphore, #tpu.memory_space<semaphore_mem>>) {add = true}
          %dma_wait3A_65 = arith.constant 0 : i32
          %dma_wait3A_66 = arith.constant 0 : i32
          %dma_wait3A_67 = tpu.memref_slice %arg12[%dma_wait3A_65, %dma_wait3A_66] : memref<10240x128xf32, #tpu.memory_space<vmem_shared>> -> memref<10240x128xf32, #tpu.memory_space<vmem_shared>>
          tpu.wait_indirect_dma semaphore(%run_scoped3A : memref<!tpu.dma_semaphore, #tpu.memory_space<semaphore_mem>>) src(%arg10 : memref<128x128xf32, #tpu.memory_space<vmem>>) dst(%dma_wait3A_67 : memref<10240x128xf32, #tpu.memory_space<vmem_shared>>)
          tpu.yield
        }) : () -> ()
      } else {
      }
      %add3A_40 = arith.constant 2 : i32
      %add3A_41 = arith.addi %mul3A_38, %add3A_40 : i32
      %lt3A_42 = arith.cmpi slt, %add3A_41, %select_n3A_18 : i32
      %convert_element_type3A_43 = arith.extui %lt3A_42 : i1 to i32
      %cond3A_44 = arith.constant 0 : i32
      %cond3A_45 = arith.cmpi ne, %convert_element_type3A_43, %cond3A_44 : i32
      scf.if %cond3A_45 {
        %add3A_50 = arith.addi %select_n3A, %mul3A_38 : i32
        %add3A_51 = arith.constant 2 : i32
        %add3A_52 = arith.addi %add3A_50, %add3A_51 : i32
        "tpu.region"() ({
          %run_scoped3A = tpu.sem_alloc : memref<!tpu.dma_semaphore, #tpu.memory_space<semaphore_mem>>
          %dma_start3A_56 = arith.constant 0 : i32
          %dma_start3A_57 = tpu.memref_slice %arg3[%add3A_52, %dma_start3A_56] : memref<2560x128xi32, #tpu.memory_space<hbm>> -> memref<1x128xi32, #tpu.memory_space<hbm>>
          %dma_start3A_58 = tpu.memref_squeeze %dma_start3A_57 : memref<1x128xi32, #tpu.memory_space<hbm>> -> memref<128xi32, #tpu.memory_space<hbm>>
          %dma_start3A_59 = arith.constant 0 : i32
          %dma_start3A_60 = tpu.memref_slice %arg3[%add3A_52, %dma_start3A_59] : memref<2560x128xi32, #tpu.memory_space<hbm>> -> memref<1x128xi32, #tpu.memory_space<hbm>>
          %dma_start3A_61 = tpu.memref_squeeze %dma_start3A_60 : memref<1x128xi32, #tpu.memory_space<hbm>> -> memref<128xi32, #tpu.memory_space<hbm>>
          tpu.enqueue_dma source(%dma_start3A_61 : memref<128xi32, #tpu.memory_space<hbm>>) target(%arg6 : memref<128xi32, #tpu.memory_space<vmem>>) target_semaphore(%run_scoped3A : memref<!tpu.dma_semaphore, #tpu.memory_space<semaphore_mem>>)
          %dma_wait3A = arith.constant 0 : i32
          %dma_wait3A_62 = tpu.memref_slice %arg3[%add3A_52, %dma_wait3A] : memref<2560x128xi32, #tpu.memory_space<hbm>> -> memref<1x128xi32, #tpu.memory_space<hbm>>
          %dma_wait3A_63 = tpu.memref_squeeze %dma_wait3A_62 : memref<1x128xi32, #tpu.memory_space<hbm>> -> memref<128xi32, #tpu.memory_space<hbm>>
          %dma_wait3A_64 = arith.constant 0 : i32
          %dma_wait3A_65 = tpu.memref_slice %arg3[%add3A_52, %dma_wait3A_64] : memref<2560x128xi32, #tpu.memory_space<hbm>> -> memref<1x128xi32, #tpu.memory_space<hbm>>
          %dma_wait3A_66 = tpu.memref_squeeze %dma_wait3A_65 : memref<1x128xi32, #tpu.memory_space<hbm>> -> memref<128xi32, #tpu.memory_space<hbm>>
          tpu.wait_dma2 semaphore(%run_scoped3A : memref<!tpu.dma_semaphore, #tpu.memory_space<semaphore_mem>>) src(%dma_wait3A_66 : memref<128xi32, #tpu.memory_space<hbm>>) dst(%arg6 : memref<128xi32, #tpu.memory_space<vmem>>)
          tpu.yield
        }) : () -> ()
        %dma_start3A_53 = arith.constant 0 : i32
        %dma_start3A_54 = arith.constant 0 : i32
        %dma_start3A_55 = tpu.memref_slice %arg2[%dma_start3A_53, %dma_start3A_54] : memref<10000x128xf32, #tpu.memory_space<hbm>> -> memref<10000x128xf32, #tpu.memory_space<hbm>>
        tpu.enqueue_indirect_dma source(%dma_start3A_55 : memref<10000x128xf32, #tpu.memory_space<hbm>>) target(%arg10 : memref<128x128xf32, #tpu.memory_space<vmem>>) offsets(%arg6 : memref<128xi32, #tpu.memory_space<vmem>>) semaphore(%arg13 : memref<!tpu.dma_semaphore, #tpu.memory_space<semaphore_mem>>)
      } else {
      }
      %lt3A_46 = arith.cmpi slt, %mul3A_38, %select_n3A_18 : i32
      %convert_element_type3A_47 = arith.extui %lt3A_46 : i1 to i32
      %cond3A_48 = arith.constant 0 : i32
      %cond3A_49 = arith.cmpi ne, %convert_element_type3A_47, %cond3A_48 : i32
      scf.if %cond3A_49 {
        %dma_wait3A = arith.constant 0 : i32
        %dma_wait3A_50 = arith.constant 0 : i32
        %dma_wait3A_51 = tpu.memref_slice %arg2[%dma_wait3A, %dma_wait3A_50] : memref<10000x128xf32, #tpu.memory_space<hbm>> -> memref<10000x128xf32, #tpu.memory_space<hbm>>
        tpu.wait_indirect_dma semaphore(%arg14 : memref<!tpu.dma_semaphore, #tpu.memory_space<semaphore_mem>>) src(%dma_wait3A_51 : memref<10000x128xf32, #tpu.memory_space<hbm>>) dst(%arg11 : memref<128x128xf32, #tpu.memory_space<vmem>>)
        "tpu.region"() ({
          %run_scoped3A = tpu.sem_alloc : memref<!tpu.dma_semaphore, #tpu.memory_space<semaphore_mem>>
          %dma_start3A_52 = arith.constant 0 : i32
          %dma_start3A_53 = arith.constant 0 : i32
          %dma_start3A_54 = tpu.memref_slice %arg12[%dma_start3A_52, %dma_start3A_53] : memref<10240x128xf32, #tpu.memory_space<vmem_shared>> -> memref<10240x128xf32, #tpu.memory_space<vmem_shared>>
          tpu.enqueue_indirect_dma source(%arg11 : memref<128x128xf32, #tpu.memory_space<vmem>>) target(%dma_start3A_54 : memref<10240x128xf32, #tpu.memory_space<vmem_shared>>) offsets(%arg9 : memref<128xi32, #tpu.memory_space<vmem>>) semaphore(%run_scoped3A : memref<!tpu.dma_semaphore, #tpu.memory_space<semaphore_mem>>) {add = true}
          %dma_wait3A_55 = arith.constant 0 : i32
          %dma_wait3A_56 = arith.constant 0 : i32
          %dma_wait3A_57 = tpu.memref_slice %arg12[%dma_wait3A_55, %dma_wait3A_56] : memref<10240x128xf32, #tpu.memory_space<vmem_shared>> -> memref<10240x128xf32, #tpu.memory_space<vmem_shared>>
          tpu.wait_indirect_dma semaphore(%run_scoped3A : memref<!tpu.dma_semaphore, #tpu.memory_space<semaphore_mem>>) src(%arg11 : memref<128x128xf32, #tpu.memory_space<vmem>>) dst(%dma_wait3A_57 : memref<10240x128xf32, #tpu.memory_space<vmem_shared>>)
          tpu.yield
        }) : () -> ()
      } else {
      }
    }
    %scan3A_25 = arith.constant 64 : i32
    %barrier3A_26 = arith.constant 0 : index
    tpu.barrier barrier_id(%barrier3A_26)
    %scan3A_27 = arith.constant 0 : i32
    %scan3A_28 = arith.constant 5 : i32
    %scan3A_29 = arith.addi %scan3A_27, %scan3A_28 : i32
    %scan3A_30 = arith.constant 1 : i32
    scf.for %scan3A_32 = %scan3A_27 to %scan3A_29 step %scan3A_30  : i32 {
      %mul3A_33 = arith.constant 1 : i32
      %mul3A_34 = arith.muli %scan3A_32, %mul3A_33 : i32
      %add3A_35 = arith.constant 0 : i32
      %add3A_36 = arith.addi %add3A_35, %mul3A_34 : i32
      %mul3A_37 = arith.constant 640 : i32
      %mul3A_38 = arith.muli %arg1, %mul3A_37 : i32
      %mul3A_39 = arith.constant 128 : i32
      %mul3A_40 = arith.muli %add3A_36, %mul3A_39 : i32
      %add3A_41 = arith.addi %mul3A_38, %mul3A_40 : i32
      "tpu.region"() ({
        %run_scoped3A = tpu.sem_alloc : memref<!tpu.dma_semaphore, #tpu.memory_space<semaphore_mem>>
        %dma_start3A_42 = arith.constant 0 : i32
        %dma_start3A_43 = tpu.memref_slice %arg5[%arg0, %add3A_41, %dma_start3A_42] : memref<2x10240x128xf32, #tpu.memory_space<hbm>> -> memref<1x128x128xf32, #tpu.memory_space<hbm>>
        %dma_start3A_44 = tpu.memref_squeeze %dma_start3A_43 : memref<1x128x128xf32, #tpu.memory_space<hbm>> -> memref<128x128xf32, #tpu.memory_space<hbm>>
        %dma_start3A_45 = arith.constant 0 : i32
        %dma_start3A_46 = tpu.memref_slice %arg12[%add3A_41, %dma_start3A_45] : memref<10240x128xf32, #tpu.memory_space<vmem_shared>> -> memref<128x128xf32, #tpu.memory_space<vmem_shared>>
        tpu.enqueue_dma source(%dma_start3A_46 : memref<128x128xf32, #tpu.memory_space<vmem_shared>>) target(%dma_start3A_44 : memref<128x128xf32, #tpu.memory_space<hbm>>) target_semaphore(%run_scoped3A : memref<!tpu.dma_semaphore, #tpu.memory_space<semaphore_mem>>)
        %dma_wait3A = arith.constant 0 : i32
        %dma_wait3A_47 = tpu.memref_slice %arg5[%arg0, %add3A_41, %dma_wait3A] : memref<2x10240x128xf32, #tpu.memory_space<hbm>> -> memref<1x128x128xf32, #tpu.memory_space<hbm>>
        %dma_wait3A_48 = tpu.memref_squeeze %dma_wait3A_47 : memref<1x128x128xf32, #tpu.memory_space<hbm>> -> memref<128x128xf32, #tpu.memory_space<hbm>>
        %dma_wait3A_49 = arith.constant 0 : i32
        %dma_wait3A_50 = tpu.memref_slice %arg12[%add3A_41, %dma_wait3A_49] : memref<10240x128xf32, #tpu.memory_space<vmem_shared>> -> memref<128x128xf32, #tpu.memory_space<vmem_shared>>
        tpu.wait_dma2 semaphore(%run_scoped3A : memref<!tpu.dma_semaphore, #tpu.memory_space<semaphore_mem>>) src(%dma_wait3A_50 : memref<128x128xf32, #tpu.memory_space<vmem_shared>>) dst(%dma_wait3A_48 : memref<128x128xf32, #tpu.memory_space<hbm>>)
        tpu.yield
      }) : () -> ()
    }
    %scan3A_31 = arith.constant 5 : i32
    return
  }
}

#map = affine_map<(d0, d1) -> (0)>
#map1 = affine_map<(d0, d1) -> (0, 0, 0)>
module attributes {stable_mosaic.version = 14 : i64} {
  func.func @k(%arg0: i32, %arg1: i32, %arg2: memref<327680xi32, #tpu.memory_space<hbm>>, %arg3: memref<2x10240x16xf32, #tpu.memory_space<hbm>>, %arg4: memref<128xi32, #tpu.memory_space<vmem>>, %arg5: memref<128x16xf32, #tpu.memory_space<vmem>>, %arg6: memref<10240x16xf32, #tpu.memory_space<vmem_shared>>) attributes {dimension_semantics = [#tpu.dimension_semantics<core_parallel>, #tpu.dimension_semantics<subcore_parallel>], iteration_bounds = array<i64: 2, 16>, scalar_prefetch = 0 : i64, scratch_operands = 3 : i64, tpu.core_type = #tpu.core_type<sc_vector_subcore>, window_params = [{transform_indices = #map}, {transform_indices = #map1}]} {
    %broadcast_in_dim3A = arith.constant 0.000000e+00 : f32
    %broadcast_in_dim3A_0 = vector.broadcast %broadcast_in_dim3A : f32 to vector<16xf32>
    %broadcast_in_dim3A_1 = arith.constant 1.000000e+00 : f32
    %broadcast_in_dim3A_2 = vector.broadcast %broadcast_in_dim3A_1 : f32 to vector<16xf32>
    %scan3A = arith.constant 0 : i32
    %scan3A_3 = arith.constant 128 : i32
    %scan3A_4 = arith.addi %scan3A, %scan3A_3 : i32
    %scan3A_5 = arith.constant 1 : i32
    scf.for %scan3A_31 = %scan3A to %scan3A_4 step %scan3A_5  : i32 {
      %mul3A_32 = arith.constant 1 : i32
      %mul3A_33 = arith.muli %scan3A_31, %mul3A_32 : i32
      %add3A_34 = arith.constant 0 : i32
      %add3A_35 = arith.addi %add3A_34, %mul3A_33 : i32
      %swap3A = arith.index_cast %add3A_35 : i32 to index
      %swap3A_36 = arith.constant 0 : index
      %swap3A_37 = tpu.vector_load %arg5[%swap3A, %swap3A_36] {strides = array<i32>} : memref<128x16xf32, #tpu.memory_space<vmem>>, vector<1x16xf32>,
      %swap3A_38 = vector.shape_cast %swap3A_37 : vector<1x16xf32> to vector<16xf32>
      %swap3A_39 = vector.shape_cast %broadcast_in_dim3A_0 : vector<16xf32> to vector<1x16xf32>
      tpu.vector_store %arg5[%swap3A, %swap3A_36], %swap3A_39 {strides = array<i32>} : memref<128x16xf32, #tpu.memory_space<vmem>>, vector<1x16xf32>,
    }
    %scan3A_6 = arith.constant 128 : i32
    %scan3A_7 = arith.constant 0 : i32
    %scan3A_8 = arith.constant 5 : i32
    %scan3A_9 = arith.addi %scan3A_7, %scan3A_8 : i32
    %scan3A_10 = arith.constant 1 : i32
    scf.for %scan3A_31 = %scan3A_7 to %scan3A_9 step %scan3A_10  : i32 {
      %mul3A_32 = arith.constant 1 : i32
      %mul3A_33 = arith.muli %scan3A_31, %mul3A_32 : i32
      %add3A_34 = arith.constant 0 : i32
      %add3A_35 = arith.addi %add3A_34, %mul3A_33 : i32
      %mul3A_36 = arith.constant 640 : i32
      %mul3A_37 = arith.muli %arg1, %mul3A_36 : i32
      %mul3A_38 = arith.constant 128 : i32
      %mul3A_39 = arith.muli %add3A_35, %mul3A_38 : i32
      %add3A_40 = arith.addi %mul3A_37, %mul3A_39 : i32
      "tpu.region"() ({
        %run_scoped3A = tpu.sem_alloc : memref<!tpu.dma_semaphore, #tpu.memory_space<semaphore_mem>>
        %dma_start3A = arith.constant 0 : i32
        %dma_start3A_41 = tpu.memref_slice %arg6[%add3A_40, %dma_start3A] : memref<10240x16xf32, #tpu.memory_space<vmem_shared>> -> memref<128x16xf32, #tpu.memory_space<vmem_shared>>
        %dma_start3A_42 = arith.constant 0 : i32
        %dma_start3A_43 = tpu.memref_slice %arg6[%add3A_40, %dma_start3A_42] : memref<10240x16xf32, #tpu.memory_space<vmem_shared>> -> memref<128x16xf32, #tpu.memory_space<vmem_shared>>
        tpu.enqueue_dma source(%arg5 : memref<128x16xf32, #tpu.memory_space<vmem>>) target(%dma_start3A_43 : memref<128x16xf32, #tpu.memory_space<vmem_shared>>) target_semaphore(%run_scoped3A : memref<!tpu.dma_semaphore, #tpu.memory_space<semaphore_mem>>)
        %dma_wait3A = arith.constant 0 : i32
        %dma_wait3A_44 = tpu.memref_slice %arg6[%add3A_40, %dma_wait3A] : memref<10240x16xf32, #tpu.memory_space<vmem_shared>> -> memref<128x16xf32, #tpu.memory_space<vmem_shared>>
        %dma_wait3A_45 = arith.constant 0 : i32
        %dma_wait3A_46 = tpu.memref_slice %arg6[%add3A_40, %dma_wait3A_45] : memref<10240x16xf32, #tpu.memory_space<vmem_shared>> -> memref<128x16xf32, #tpu.memory_space<vmem_shared>>
        tpu.wait_dma2 semaphore(%run_scoped3A : memref<!tpu.dma_semaphore, #tpu.memory_space<semaphore_mem>>) src(%arg5 : memref<128x16xf32, #tpu.memory_space<vmem>>) dst(%dma_wait3A_46 : memref<128x16xf32, #tpu.memory_space<vmem_shared>>)
        tpu.yield
      }) : () -> ()
    }
    %scan3A_11 = arith.constant 5 : i32
    %scan3A_12 = arith.constant 0 : i32
    %scan3A_13 = arith.constant 128 : i32
    %scan3A_14 = arith.addi %scan3A_12, %scan3A_13 : i32
    %scan3A_15 = arith.constant 1 : i32
    scf.for %scan3A_31 = %scan3A_12 to %scan3A_14 step %scan3A_15  : i32 {
      %mul3A_32 = arith.constant 1 : i32
      %mul3A_33 = arith.muli %scan3A_31, %mul3A_32 : i32
      %add3A_34 = arith.constant 0 : i32
      %add3A_35 = arith.addi %add3A_34, %mul3A_33 : i32
      %swap3A = arith.index_cast %add3A_35 : i32 to index
      %swap3A_36 = arith.constant 0 : index
      %swap3A_37 = tpu.vector_load %arg5[%swap3A, %swap3A_36] {strides = array<i32>} : memref<128x16xf32, #tpu.memory_space<vmem>>, vector<1x16xf32>,
      %swap3A_38 = vector.shape_cast %swap3A_37 : vector<1x16xf32> to vector<16xf32>
      %swap3A_39 = vector.shape_cast %broadcast_in_dim3A_2 : vector<16xf32> to vector<1x16xf32>
      tpu.vector_store %arg5[%swap3A, %swap3A_36], %swap3A_39 {strides = array<i32>} : memref<128x16xf32, #tpu.memory_space<vmem>>, vector<1x16xf32>,
    }
    %scan3A_16 = arith.constant 128 : i32
    %barrier3A = arith.constant 0 : index
    tpu.barrier barrier_id(%barrier3A)
    %mul3A = arith.constant 163840 : i32
    %mul3A_17 = arith.muli %arg0, %mul3A : i32
    %mul3A_18 = arith.constant 10240 : i32
    %mul3A_19 = arith.muli %arg1, %mul3A_18 : i32
    %add3A = arith.addi %mul3A_17, %mul3A_19 : i32
    %scan3A_20 = arith.constant 0 : i32
    %scan3A_21 = arith.constant 80 : i32
    %scan3A_22 = arith.addi %scan3A_20, %scan3A_21 : i32
    %scan3A_23 = arith.constant 1 : i32
    scf.for %scan3A_31 = %scan3A_20 to %scan3A_22 step %scan3A_23  : i32 {
      %mul3A_32 = arith.constant 1 : i32
      %mul3A_33 = arith.muli %scan3A_31, %mul3A_32 : i32
      %add3A_34 = arith.constant 0 : i32
      %add3A_35 = arith.addi %add3A_34, %mul3A_33 : i32
      %mul3A_36 = arith.constant 128 : i32
      %mul3A_37 = arith.muli %add3A_35, %mul3A_36 : i32
      %add3A_38 = arith.addi %add3A, %mul3A_37 : i32
      "tpu.region"() ({
        %run_scoped3A = tpu.sem_alloc : memref<!tpu.dma_semaphore, #tpu.memory_space<semaphore_mem>>
        %dma_start3A = tpu.memref_slice %arg2[%add3A_38] : memref<327680xi32, #tpu.memory_space<hbm>> -> memref<128xi32, #tpu.memory_space<hbm>>
        %dma_start3A_39 = tpu.memref_slice %arg2[%add3A_38] : memref<327680xi32, #tpu.memory_space<hbm>> -> memref<128xi32, #tpu.memory_space<hbm>>
        tpu.enqueue_dma source(%dma_start3A_39 : memref<128xi32, #tpu.memory_space<hbm>>) target(%arg4 : memref<128xi32, #tpu.memory_space<vmem>>) target_semaphore(%run_scoped3A : memref<!tpu.dma_semaphore, #tpu.memory_space<semaphore_mem>>)
        %dma_wait3A = tpu.memref_slice %arg2[%add3A_38] : memref<327680xi32, #tpu.memory_space<hbm>> -> memref<128xi32, #tpu.memory_space<hbm>>
        %dma_wait3A_40 = tpu.memref_slice %arg2[%add3A_38] : memref<327680xi32, #tpu.memory_space<hbm>> -> memref<128xi32, #tpu.memory_space<hbm>>
        tpu.wait_dma2 semaphore(%run_scoped3A : memref<!tpu.dma_semaphore, #tpu.memory_space<semaphore_mem>>) src(%dma_wait3A_40 : memref<128xi32, #tpu.memory_space<hbm>>) dst(%arg4 : memref<128xi32, #tpu.memory_space<vmem>>)
        tpu.yield
      }) : () -> ()
      "tpu.region"() ({
        %run_scoped3A = tpu.sem_alloc : memref<!tpu.dma_semaphore, #tpu.memory_space<semaphore_mem>>
        %dma_start3A = arith.constant 0 : i32
        %dma_start3A_39 = arith.constant 0 : i32
        %dma_start3A_40 = tpu.memref_slice %arg6[%dma_start3A, %dma_start3A_39] : memref<10240x16xf32, #tpu.memory_space<vmem_shared>> -> memref<10240x16xf32, #tpu.memory_space<vmem_shared>>
        tpu.enqueue_indirect_dma source(%arg5 : memref<128x16xf32, #tpu.memory_space<vmem>>) target(%dma_start3A_40 : memref<10240x16xf32, #tpu.memory_space<vmem_shared>>) offsets(%arg4 : memref<128xi32, #tpu.memory_space<vmem>>) semaphore(%run_scoped3A : memref<!tpu.dma_semaphore, #tpu.memory_space<semaphore_mem>>) {add = true}
        %dma_wait3A = arith.constant 0 : i32
        %dma_wait3A_41 = arith.constant 0 : i32
        %dma_wait3A_42 = tpu.memref_slice %arg6[%dma_wait3A, %dma_wait3A_41] : memref<10240x16xf32, #tpu.memory_space<vmem_shared>> -> memref<10240x16xf32, #tpu.memory_space<vmem_shared>>
        tpu.wait_indirect_dma semaphore(%run_scoped3A : memref<!tpu.dma_semaphore, #tpu.memory_space<semaphore_mem>>) src(%arg5 : memref<128x16xf32, #tpu.memory_space<vmem>>) dst(%dma_wait3A_42 : memref<10240x16xf32, #tpu.memory_space<vmem_shared>>)
        tpu.yield
      }) : () -> ()
    }
    %scan3A_24 = arith.constant 80 : i32
    %barrier3A_25 = arith.constant 0 : index
    tpu.barrier barrier_id(%barrier3A_25)
    %scan3A_26 = arith.constant 0 : i32
    %scan3A_27 = arith.constant 5 : i32
    %scan3A_28 = arith.addi %scan3A_26, %scan3A_27 : i32
    %scan3A_29 = arith.constant 1 : i32
    scf.for %scan3A_31 = %scan3A_26 to %scan3A_28 step %scan3A_29  : i32 {
      %mul3A_32 = arith.constant 1 : i32
      %mul3A_33 = arith.muli %scan3A_31, %mul3A_32 : i32
      %add3A_34 = arith.constant 0 : i32
      %add3A_35 = arith.addi %add3A_34, %mul3A_33 : i32
      %mul3A_36 = arith.constant 640 : i32
      %mul3A_37 = arith.muli %arg1, %mul3A_36 : i32
      %mul3A_38 = arith.constant 128 : i32
      %mul3A_39 = arith.muli %add3A_35, %mul3A_38 : i32
      %add3A_40 = arith.addi %mul3A_37, %mul3A_39 : i32
      "tpu.region"() ({
        %run_scoped3A = tpu.sem_alloc : memref<!tpu.dma_semaphore, #tpu.memory_space<semaphore_mem>>
        %dma_start3A = arith.constant 0 : i32
        %dma_start3A_41 = tpu.memref_slice %arg3[%arg0, %add3A_40, %dma_start3A] : memref<2x10240x16xf32, #tpu.memory_space<hbm>> -> memref<1x128x16xf32, #tpu.memory_space<hbm>>
        %dma_start3A_42 = tpu.memref_squeeze %dma_start3A_41 : memref<1x128x16xf32, #tpu.memory_space<hbm>> -> memref<128x16xf32, #tpu.memory_space<hbm>>
        %dma_start3A_43 = arith.constant 0 : i32
        %dma_start3A_44 = tpu.memref_slice %arg6[%add3A_40, %dma_start3A_43] : memref<10240x16xf32, #tpu.memory_space<vmem_shared>> -> memref<128x16xf32, #tpu.memory_space<vmem_shared>>
        tpu.enqueue_dma source(%dma_start3A_44 : memref<128x16xf32, #tpu.memory_space<vmem_shared>>) target(%dma_start3A_42 : memref<128x16xf32, #tpu.memory_space<hbm>>) target_semaphore(%run_scoped3A : memref<!tpu.dma_semaphore, #tpu.memory_space<semaphore_mem>>)
        %dma_wait3A = arith.constant 0 : i32
        %dma_wait3A_45 = tpu.memref_slice %arg3[%arg0, %add3A_40, %dma_wait3A] : memref<2x10240x16xf32, #tpu.memory_space<hbm>> -> memref<1x128x16xf32, #tpu.memory_space<hbm>>
        %dma_wait3A_46 = tpu.memref_squeeze %dma_wait3A_45 : memref<1x128x16xf32, #tpu.memory_space<hbm>> -> memref<128x16xf32, #tpu.memory_space<hbm>>
        %dma_wait3A_47 = arith.constant 0 : i32
        %dma_wait3A_48 = tpu.memref_slice %arg6[%add3A_40, %dma_wait3A_47] : memref<10240x16xf32, #tpu.memory_space<vmem_shared>> -> memref<128x16xf32, #tpu.memory_space<vmem_shared>>
        tpu.wait_dma2 semaphore(%run_scoped3A : memref<!tpu.dma_semaphore, #tpu.memory_space<semaphore_mem>>) src(%dma_wait3A_48 : memref<128x16xf32, #tpu.memory_space<vmem_shared>>) dst(%dma_wait3A_46 : memref<128x16xf32, #tpu.memory_space<hbm>>)
        tpu.yield
      }) : () -> ()
    }
    %scan3A_30 = arith.constant 5 : i32
    return
  }
}

module attributes {stable_mosaic.version = 14 : i64} {
  func.func @body(%arg0: i32, %arg1: memref<2000x128xf32, #tpu.memory_space<vmem>>, %arg2: memref<128x128xf32, #tpu.memory_space<vmem>>, %arg3: memref<2000x128xf32, #tpu.memory_space<vmem>>) attributes {dimension_semantics = [#tpu.dimension_semantics<arbitrary>], iteration_bounds = array<i64: 5>, scalar_prefetch = 0 : i64, scratch_operands = 0 : i64, tpu.core_type = #tpu.core_type<tc>, window_params = [{transform_indices = @transform_0, window_bounds = array<i64: 2000, 128>}, {pipeline_mode = #tpu.pipeline_mode<synchronous>, transform_indices = @transform_1, window_bounds = array<i64: 128, 128>}, {transform_indices = @transform_2, window_bounds = array<i64: 2000, 128>}]} {
    %get3A = arith.constant 0 : index
    %get3A_0 = arith.constant 0 : index
    %get3A_1 = vector.load %arg1[%get3A, %get3A_0] : memref<2000x128xf32, #tpu.memory_space<vmem>>, vector<2000x128xf32>
    %get3A_2 = arith.constant 0 : index
    %get3A_3 = arith.constant 0 : index
    %get3A_4 = vector.load %arg2[%get3A_2, %get3A_3] : memref<128x128xf32, #tpu.memory_space<vmem>>, vector<128x128xf32>
    %dot_general3A = arith.constant dense<0.000000e+00> : vector<2000x128xf32>
    %dot_general3A_5 = tpu.matmul %get3A_1, %get3A_4, %dot_general3A {dimension_numbers = #tpu.dot_dimension_numbers<[1], [0], [0], [1], [0, 0, 1, 1], [], []>, transpose_lhs_hint = false} : vector<2000x128xf32>, vector<128x128xf32>, vector<2000x128xf32> -> vector<2000x128xf32>
    %swap3A = arith.constant 0 : index
    %swap3A_6 = arith.constant 0 : index
    %swap3A_7 = vector.load %arg3[%swap3A, %swap3A_6] : memref<2000x128xf32, #tpu.memory_space<vmem>>, vector<2000x128xf32>
    tpu.vector_store %arg3[%swap3A, %swap3A_6], %dot_general3A_5 {strides = array<i32>} : memref<2000x128xf32, #tpu.memory_space<vmem>>, vector<2000x128xf32>,
    return
  }
  func.func @transform_0(%arg0: i32) -> (i32, i32) {
    %c0_i32 = arith.constant 0 : i32
    %c0_i32_0 = arith.constant 0 : i32
    return %arg0, %c0_i32 : i32, i32
  }
  func.func @transform_1(%arg0: i32) -> (i32, i32) {
    %c0_i32 = arith.constant 0 : i32
    %c0_i32_0 = arith.constant 0 : i32
    %c0_i32_1 = arith.constant 0 : i32
    return %c0_i32, %c0_i32_0 : i32, i32
  }
  func.func @transform_2(%arg0: i32) -> (i32, i32) {
    %c0_i32 = arith.constant 0 : i32
    %c0_i32_0 = arith.constant 0 : i32
    return %arg0, %c0_i32 : i32, i32
  }
}

module attributes {stable_mosaic.version = 14 : i64} {
  func.func @body(%arg0: i32, %arg1: memref<2000x128xf32, #tpu.memory_space<vmem>>, %arg2: memref<1x2000x16xf32, #tpu.memory_space<vmem>>, %arg3: memref<1x2000x16xf32, #tpu.memory_space<vmem>>, %arg4: memref<2000x128xf32, #tpu.memory_space<vmem>>) attributes {dimension_semantics = [#tpu.dimension_semantics<arbitrary>], iteration_bounds = array<i64: 5>, scalar_prefetch = 0 : i64, scratch_operands = 0 : i64, tpu.core_type = #tpu.core_type<tc>, window_params = [{transform_indices = @transform_0, window_bounds = array<i64: 2000, 128>}, {transform_indices = @transform_1, window_bounds = array<i64: 1, 2000, 16>}, {transform_indices = @transform_2, window_bounds = array<i64: 1, 2000, 16>}, {transform_indices = @transform_3, window_bounds = array<i64: 2000, 128>}]} {
    %get3A = arith.constant 0 : index
    %get3A_0 = arith.constant 0 : index
    %get3A_1 = arith.constant 0 : index
    %get3A_2 = vector.load %arg2[%get3A, %get3A_0, %get3A_1] : memref<1x2000x16xf32, #tpu.memory_space<vmem>>, vector<1x2000x1xf32>
    %get3A_3 = vector.shape_cast %get3A_2 : vector<1x2000x1xf32> to vector<2000xf32>
    %add3A = arith.constant 1.000000e+00 : f32
    %add3A_4 = vector.broadcast %add3A : f32 to vector<2000xf32>
    %add3A_5 = arith.addf %add3A_4, %get3A_3 : vector<2000xf32>
    %get3A_6 = arith.constant 0 : index
    %get3A_7 = arith.constant 0 : index
    %get3A_8 = arith.constant 0 : index
    %get3A_9 = vector.load %arg3[%get3A_6, %get3A_7, %get3A_8] : memref<1x2000x16xf32, #tpu.memory_space<vmem>>, vector<1x2000x1xf32>
    %get3A_10 = vector.shape_cast %get3A_9 : vector<1x2000x1xf32> to vector<2000xf32>
    %add3A_11 = arith.addf %add3A_5, %get3A_10 : vector<2000xf32>
    %get3A_12 = arith.constant 0 : index
    %get3A_13 = arith.constant 0 : index
    %get3A_14 = vector.load %arg1[%get3A_12, %get3A_13] : memref<2000x128xf32, #tpu.memory_space<vmem>>, vector<2000x128xf32>
    %rsqrt3A = math.rsqrt %add3A_11 : vector<2000xf32>
    %broadcast_in_dim3A = vector.shape_cast %rsqrt3A : vector<2000xf32> to vector<2000x1xf32>
    %mul3A = vector.broadcast %broadcast_in_dim3A : vector<2000x1xf32> to vector<2000x128xf32>
    %mul3A_15 = arith.mulf %get3A_14, %mul3A : vector<2000x128xf32>
    %swap3A = arith.constant 0 : index
    %swap3A_16 = arith.constant 0 : index
    %swap3A_17 = vector.load %arg4[%swap3A, %swap3A_16] : memref<2000x128xf32, #tpu.memory_space<vmem>>, vector<2000x128xf32>
    tpu.vector_store %arg4[%swap3A, %swap3A_16], %mul3A_15 {strides = array<i32>} : memref<2000x128xf32, #tpu.memory_space<vmem>>, vector<2000x128xf32>,
    return
  }
  func.func @transform_0(%arg0: i32) -> (i32, i32) {
    %c0_i32 = arith.constant 0 : i32
    %c0_i32_0 = arith.constant 0 : i32
    return %arg0, %c0_i32 : i32, i32
  }
  func.func @transform_1(%arg0: i32) -> (i32, i32, i32) {
    %c0_i32 = arith.constant 0 : i32
    %c0_i32_0 = arith.constant 0 : i32
    %c0_i32_1 = arith.constant 0 : i32
    return %c0_i32, %arg0, %c0_i32_0 : i32, i32, i32
  }
  func.func @transform_2(%arg0: i32) -> (i32, i32, i32) {
    %c1_i32 = arith.constant 1 : i32
    %c0_i32 = arith.constant 0 : i32
    %c0_i32_0 = arith.constant 0 : i32
    return %c1_i32, %arg0, %c0_i32 : i32, i32, i32
  }
  func.func @transform_3(%arg0: i32) -> (i32, i32) {
    %c0_i32 = arith.constant 0 : i32
    %c0_i32_0 = arith.constant 0 : i32
    return %arg0, %c0_i32 : i32, i32
  }
}

module attributes {stable_mosaic.version = 14 : i64} {
  func.func @body(%arg0: i32, %arg1: memref<1x2000x128xf32, #tpu.memory_space<vmem>>, %arg2: memref<1x2000x128xf32, #tpu.memory_space<vmem>>, %arg3: memref<1x2000x16xf32, #tpu.memory_space<vmem>>, %arg4: memref<1x2000x16xf32, #tpu.memory_space<vmem>>, %arg5: memref<2000x128xf32, #tpu.memory_space<vmem>>, %arg6: memref<1x128xf32, #tpu.memory_space<vmem>>, %arg7: memref<2000x128xf32, #tpu.memory_space<vmem>>) attributes {dimension_semantics = [#tpu.dimension_semantics<arbitrary>], iteration_bounds = array<i64: 5>, scalar_prefetch = 0 : i64, scratch_operands = 0 : i64, tpu.core_type = #tpu.core_type<tc>, window_params = [{transform_indices = @transform_0, window_bounds = array<i64: 1, 2000, 128>}, {transform_indices = @transform_1, window_bounds = array<i64: 1, 2000, 128>}, {transform_indices = @transform_2, window_bounds = array<i64: 1, 2000, 16>}, {transform_indices = @transform_3, window_bounds = array<i64: 1, 2000, 16>}, {transform_indices = @transform_4, window_bounds = array<i64: 2000, 128>}, {pipeline_mode = #tpu.pipeline_mode<synchronous>, transform_indices = @transform_5, window_bounds = array<i64: 1, 128>}, {transform_indices = @transform_6, window_bounds = array<i64: 2000, 128>}]} {
    %get3A = arith.constant 0 : index
    %get3A_0 = arith.constant 0 : index
    %get3A_1 = arith.constant 0 : index
    %get3A_2 = vector.load %arg3[%get3A, %get3A_0, %get3A_1] : memref<1x2000x16xf32, #tpu.memory_space<vmem>>, vector<1x2000x1xf32>
    %get3A_3 = vector.shape_cast %get3A_2 : vector<1x2000x1xf32> to vector<2000xf32>
    %add3A = arith.constant 1.000000e+00 : f32
    %add3A_4 = vector.broadcast %add3A : f32 to vector<2000xf32>
    %add3A_5 = arith.addf %add3A_4, %get3A_3 : vector<2000xf32>
    %get3A_6 = arith.constant 0 : index
    %get3A_7 = arith.constant 0 : index
    %get3A_8 = arith.constant 0 : index
    %get3A_9 = vector.load %arg4[%get3A_6, %get3A_7, %get3A_8] : memref<1x2000x16xf32, #tpu.memory_space<vmem>>, vector<1x2000x1xf32>
    %get3A_10 = vector.shape_cast %get3A_9 : vector<1x2000x1xf32> to vector<2000xf32>
    %add3A_11 = arith.addf %add3A_5, %get3A_10 : vector<2000xf32>
    %rsqrt3A = math.rsqrt %add3A_11 : vector<2000xf32>
    %get3A_12 = arith.constant 0 : index
    %get3A_13 = arith.constant 0 : index
    %get3A_14 = arith.constant 0 : index
    %get3A_15 = vector.load %arg1[%get3A_12, %get3A_13, %get3A_14] : memref<1x2000x128xf32, #tpu.memory_space<vmem>>, vector<1x2000x128xf32>
    %get3A_16 = vector.shape_cast %get3A_15 : vector<1x2000x128xf32> to vector<2000x128xf32>
    %get3A_17 = arith.constant 0 : index
    %get3A_18 = arith.constant 0 : index
    %get3A_19 = arith.constant 0 : index
    %get3A_20 = vector.load %arg2[%get3A_17, %get3A_18, %get3A_19] : memref<1x2000x128xf32, #tpu.memory_space<vmem>>, vector<1x2000x128xf32>
    %get3A_21 = vector.shape_cast %get3A_20 : vector<1x2000x128xf32> to vector<2000x128xf32>
    %add3A_22 = arith.addf %get3A_16, %get3A_21 : vector<2000x128xf32>
    %broadcast_in_dim3A = vector.shape_cast %rsqrt3A : vector<2000xf32> to vector<2000x1xf32>
    %mul3A = vector.broadcast %broadcast_in_dim3A : vector<2000x1xf32> to vector<2000x128xf32>
    %mul3A_23 = arith.mulf %add3A_22, %mul3A : vector<2000x128xf32>
    %get3A_24 = arith.constant 0 : index
    %get3A_25 = arith.constant 0 : index
    %get3A_26 = vector.load %arg5[%get3A_24, %get3A_25] : memref<2000x128xf32, #tpu.memory_space<vmem>>, vector<2000x128xf32>
    %div3A = arith.constant 1.000000e+00 : f32
    %div3A_27 = vector.broadcast %div3A : f32 to vector<2000xf32>
    %div3A_28 = arith.divf %div3A_27, %add3A_11 : vector<2000xf32>
    %broadcast_in_dim3A_29 = vector.shape_cast %div3A_28 : vector<2000xf32> to vector<2000x1xf32>
    %mul3A_30 = vector.broadcast %broadcast_in_dim3A_29 : vector<2000x1xf32> to vector<2000x128xf32>
    %mul3A_31 = arith.mulf %get3A_26, %mul3A_30 : vector<2000x128xf32>
    %add3A_32 = arith.addf %mul3A_23, %mul3A_31 : vector<2000x128xf32>
    %get3A_33 = arith.constant 0 : index
    %get3A_34 = arith.constant 0 : index
    %get3A_35 = vector.load %arg6[%get3A_33, %get3A_34] : memref<1x128xf32, #tpu.memory_space<vmem>>, vector<1x128xf32>
    %add3A_36 = vector.broadcast %get3A_35 : vector<1x128xf32> to vector<2000x128xf32>
    %add3A_37 = arith.addf %add3A_32, %add3A_36 : vector<2000x128xf32>
    %reduce_max3A = arith.constant dense<0xFF800000> : vector<2000xf32>
    %reduce_max3A_38 = vector.multi_reduction <maximumf>, %add3A_37, %reduce_max3A [1] : vector<2000x128xf32> to vector<2000xf32>
    %broadcast_in_dim3A_39 = vector.shape_cast %reduce_max3A_38 : vector<2000xf32> to vector<2000x1xf32>
    %sub3A = vector.broadcast %broadcast_in_dim3A_39 : vector<2000x1xf32> to vector<2000x128xf32>
    %sub3A_40 = arith.subf %add3A_37, %sub3A : vector<2000x128xf32>
    %exp3A = math.exp %sub3A_40 : vector<2000x128xf32>
    %reduce_sum3A = arith.constant dense<0.000000e+00> : vector<2000xf32>
    %reduce_sum3A_41 = vector.multi_reduction <add>, %exp3A, %reduce_sum3A [1] : vector<2000x128xf32> to vector<2000xf32>
    %broadcast_in_dim3A_42 = vector.shape_cast %reduce_sum3A_41 : vector<2000xf32> to vector<2000x1xf32>
    %div3A_43 = vector.broadcast %broadcast_in_dim3A_42 : vector<2000x1xf32> to vector<2000x128xf32>
    %div3A_44 = arith.divf %exp3A, %div3A_43 : vector<2000x128xf32>
    %swap3A = arith.constant 0 : index
    %swap3A_45 = arith.constant 0 : index
    %swap3A_46 = vector.load %arg7[%swap3A, %swap3A_45] : memref<2000x128xf32, #tpu.memory_space<vmem>>, vector<2000x128xf32>
    tpu.vector_store %arg7[%swap3A, %swap3A_45], %div3A_44 {strides = array<i32>} : memref<2000x128xf32, #tpu.memory_space<vmem>>, vector<2000x128xf32>,
    return
  }
  func.func @transform_0(%arg0: i32) -> (i32, i32, i32) {
    %c0_i32 = arith.constant 0 : i32
    %c0_i32_0 = arith.constant 0 : i32
    %c0_i32_1 = arith.constant 0 : i32
    return %c0_i32, %arg0, %c0_i32_0 : i32, i32, i32
  }
  func.func @transform_1(%arg0: i32) -> (i32, i32, i32) {
    %c1_i32 = arith.constant 1 : i32
    %c0_i32 = arith.constant 0 : i32
    %c0_i32_0 = arith.constant 0 : i32
    return %c1_i32, %arg0, %c0_i32 : i32, i32, i32
  }
  func.func @transform_2(%arg0: i32) -> (i32, i32, i32) {
    %c0_i32 = arith.constant 0 : i32
    %c0_i32_0 = arith.constant 0 : i32
    %c0_i32_1 = arith.constant 0 : i32
    return %c0_i32, %arg0, %c0_i32_0 : i32, i32, i32
  }
  func.func @transform_3(%arg0: i32) -> (i32, i32, i32) {
    %c1_i32 = arith.constant 1 : i32
    %c0_i32 = arith.constant 0 : i32
    %c0_i32_0 = arith.constant 0 : i32
    return %c1_i32, %arg0, %c0_i32 : i32, i32, i32
  }
  func.func @transform_4(%arg0: i32) -> (i32, i32) {
    %c0_i32 = arith.constant 0 : i32
    %c0_i32_0 = arith.constant 0 : i32
    return %arg0, %c0_i32 : i32, i32
  }
  func.func @transform_5(%arg0: i32) -> (i32, i32) {
    %c0_i32 = arith.constant 0 : i32
    %c0_i32_0 = arith.constant 0 : i32
    %c0_i32_1 = arith.constant 0 : i32
    return %c0_i32, %c0_i32_0 : i32, i32
  }
  func.func @transform_6(%arg0: i32) -> (i32, i32) {
    %c0_i32 = arith.constant 0 : i32
    %c0_i32_0 = arith.constant 0 : i32
    return %arg0, %c0_i32 : i32, i32
  }
}

</mosaic_0001>

<sc_bundles>
// kernel: kernel.10.cloned.1.call-start
scs
__scs_entry_jumppad:
0x0: {  	(pc) =	sbr.rel $0x88, $3  }
0x1: {  	(tag) =	ssettag $0x0;
	lr =	simm.s32 $0x1  }
0x2: {  	[smem:$0x3F9D] =	sst lr;
	_ =	strace $0xD0000000  }
0x3: {  	_ = 	snop  }
0x4: {  	_ = 	snop  }
0x5: {  	_ = 	snop  }
0x6: {  	_ = 	snop  }
0x7: {  	_ = 	snop  }
__scs_overlays_trampoline_lowered:
0x8: {  	[smem:$0x3FAC] =	sst s0  }
0x9: {  	[smem:$0x3FAD] =	sst s1  }
0xa: {  	[smem:$0x3FAE] =	sst s2  }
0xb: {  	[smem:$0x3FAF] =	sst s3  }
0xc: {  	[smem:$0x3FB0] =	sst s4  }
0xd: {  	[smem:$0x3FB1] =	sst s5  }
0xe: {  	[smem:$0x3FB2] =	sst s6  }
0xf: {  	[smem:$0x3FB3] =	sst s7  }
0x10: {  	[smem:$0x3FB4] =	sst s8  }
0x11: {  	[smem:$0x3FB5] =	sst s9;
	s0 =	simm.s32 @!p0 $0x0  }
0x12: {  	s1 =	sld [smem:$0x3F9B];
	s0 =	simm.s32 @p0 $0x1  }
0x13: {  	[smem:$0x3FB6] =	sst s0;
	s0 =	simm.s32 @!p1 $0x0  }
0x14: {  	s2 =	sld [smem:$0x3F9A];
	s0 =	simm.s32 @p1 $0x1  }
0x15: {  	[smem:$0x3FB7] =	sst s0;
	s0 =	simm.s32 @!p2 $0x0  }
0x16: {  	s3 =	sld [smem:$0x3FDB];
	s0 =	simm.s32 @p2 $0x1  }
0x17: {  	s4 =	simm.s32 $0x1BF5;
	[smem:$0x3FB9] =	sst s0  }
0x18: {  	s0 =	sld [smem:$0x3F9C];
	_ =	swait.ge [sflag:s4], $0x0  }
0x19: {  	s7 =	sld [smem:$0x3F9D]  }
0x1a: {  	s8 =	sadd.s32 $0xFFFFE003, lr  }
0x1b: {  	s9 =	sadd.s32 $0xFFFFFEF7, lr;
	s5 =	simm.s32 $0xFFFFFFFF;
	p2 =	slt.u32 s8, $0xFFFFF086  }
0x1c: {  	p1 =	slt.u32 s9, $0xF7A;
	s5 =	simm.s32 @!p2 $0x0  }
0x1d: {  	s5 =	simm.s32 @p1 $0x1;
	p0 =	seq.s32 s7, s2  }
0x1e: {  	s7 =	smul.u32 @!p0 $0xF7A, s2;
	p2 =	seq.s32 @!p0 s5, $0x0  }
0x1f: {  	s9 =	smul.u32 $0xF7A, s1;
	s8 =	simm.s32 @!p0 $0x1BF5;
	p2 =	por !p2, p0  }
0x20: {  	[sflag:s8] =	ssyncset.s32 @!p0 $0xFFFFF086;
	s6 =	sadd.s32 @!p0 s3, s7;
	s7 =	simm.s32 @!p0 $0x108  }
0x21: {  	s3 =	sadd.s32 s3, s9;
	s6 =	sadd.s32 @!p0 $0x88, s6;
	s7 =	simm.s32 @p2 $0x1082  }
0x22: {  	[simem:s7], [sflag:s8] =	dma.local @!p0 [hbm:s6], $0xF7A  }
0x23: {  	s9 =	sor.u32 $0xD0000000, s2;
	s6 =	simm.s32 $0x108;
	_ =	swait.ge @!p0 [sflag:s8], $0x0  }
0x24: {  	s3 =	sadd.s32 $0x88, s3;
	s6 =	simm.s32 @!p1 $0x1082;
	[sflag:s4] =	ssyncset.s32 $0xFFFFF086  }
0x25: {  	[simem:s6], [sflag:s4] =	dma.local [hbm:s3], $0xF7A  }
0x26: {  	[smem:$0x3F9D] =	sst s1;
	(tag) =	ssettag s2;
	_ =	strace s9  }
0x27: {  	s1 =	sld [smem:$0x3FAD]  }
0x28: {  	s2 =	sld [smem:$0x3FAE]  }
0x29: {  	s4 =	sld [smem:$0x3FB0]  }
0x2a: {  	p0 =	seq.s32 s5, $0x0;
	s5 =	sld [smem:$0x3FB1]  }
0x2b: {  	s6 =	sld [smem:$0x3FB2]  }
0x2c: {  	s7 =	sld [smem:$0x3FB3]  }
0x2d: {  	s3 =	simm.s32 $0x108;
	s8 =	sld [smem:$0x3FB4]  }
0x2e: {  	s3 =	simm.s32 @!p0 $0x1082;
	s9 =	sld [smem:$0x3FB5]  }
0x2f: {  	lr =	sadd.s32 s0, s3;
	s0 =	sld [smem:$0x3FAC]  }
0x30: {  	s3 =	sld [smem:$0x3FAF]  }
0x31: {  	[smem:$0x3FB8] =	sst s10  }
0x32: {  	s10 =	sld [smem:$0x3FB6];
	_ =	sdelay $0x3  }
0x33: {  	p0 =	seq.s32 s10, $0x1;
	s10 =	sld [smem:$0x3FB8];
	_ =	sdelay $0x3  }
0x34: {  	[smem:$0x3FB8] =	sst s10  }
0x35: {  	s10 =	sld [smem:$0x3FB7];
	_ =	sdelay $0x3  }
0x36: {  	p1 =	seq.s32 s10, $0x1;
	s10 =	sld [smem:$0x3FB8];
	_ =	sdelay $0x3  }
0x37: {  	[smem:$0x3FB8] =	sst s10  }
0x38: {  	s10 =	sld [smem:$0x3FB9]  }
0x39: {  	_ = 	snop;
	(pc) =	sbr.ind lr, $3  }
0x3a: {  	_ = 	snop  }
0x3b: {  	_ = 	snop  }
0x3c: {  	p2 =	seq.s32 s10, $0x1;
	s10 =	sld [smem:$0x3FB8]  }
0x3d: {  	_ =	shalt  }
0x3e: {  	_ =	shalt  }
0x3f: {  	_ =	shalt  }
0x40: {  	_ =	shalt  }
0x41: {  	_ =	shalt  }
0x42: {  	_ =	shalt  }
0x43: {  	_ =	shalt  }
0x44: {  	_ =	shalt  }
0x45: {  	_ =	shalt  }
0x46: {  	_ =	shalt  }
0x47: {  	_ =	shalt  }
0x48: {  	_ =	shalt  }
0x49: {  	_ =	shalt  }
0x4a: {  	_ =	shalt  }
0x4b: {  	_ =	shalt  }
0x4c: {  	_ =	shalt  }
0x4d: {  	_ =	shalt  }
0x4e: {  	_ =	shalt  }
0x4f: {  	_ =	shalt  }
0x50: {  	_ =	shalt  }
0x51: {  	_ =	shalt  }
0x52: {  	_ =	shalt  }
0x53: {  	_ =	shalt  }
0x54: {  	_ =	shalt  }
0x55: {  	_ =	shalt  }
0x56: {  	_ =	shalt  }
0x57: {  	_ =	shalt  }
0x58: {  	_ =	shalt  }
0x59: {  	_ =	shalt  }
0x5a: {  	_ =	shalt  }
0x5b: {  	_ =	shalt  }
0x5c: {  	_ =	shalt  }
0x5d: {  	_ =	shalt  }
0x5e: {  	_ =	shalt  }
0x5f: {  	_ =	shalt  }
0x60: {  	_ =	shalt  }
0x61: {  	_ =	shalt  }
0x62: {  	_ =	shalt  }
0x63: {  	_ =	shalt  }
0x64: {  	_ =	shalt  }
0x65: {  	_ =	shalt  }
0x66: {  	_ =	shalt  }
0x67: {  	_ =	shalt  }
0x68: {  	_ =	shalt  }
0x69: {  	_ =	shalt  }
0x6a: {  	_ =	shalt  }
0x6b: {  	_ =	shalt  }
0x6c: {  	_ =	shalt  }
0x6d: {  	_ =	shalt  }
0x6e: {  	_ =	shalt  }
0x6f: {  	_ =	shalt  }
0x70: {  	_ =	shalt  }
0x71: {  	_ =	shalt  }
0x72: {  	_ =	shalt  }
0x73: {  	_ =	shalt  }
0x74: {  	_ =	shalt  }
0x75: {  	_ =	shalt  }
0x76: {  	_ =	shalt  }
0x77: {  	_ =	shalt  }
0x78: {  	_ =	shalt  }
0x79: {  	_ =	shalt  }
0x7a: {  	_ =	shalt  }
0x7b: {  	_ =	shalt  }
0x7c: {  	_ =	shalt  }
0x7d: {  	_ =	shalt  }
0x7e: {  	_ =	shalt  }
0x7f: {  	_ =	shalt  }
0x80: {  	_ =	shalt  }
0x81: {  	_ =	shalt  }
0x82: {  	_ =	shalt  }
0x83: {  	_ =	shalt  }
0x84: {  	_ =	shalt  }
0x85: {  	_ =	shalt  }
0x86: {  	_ =	shalt  }
0x87: {  	_ =	shalt  }
.Lfunc_end0:
.L_simem_size_0:
called_computation.1_lowered:
.L_overlay_start_0:
0x88: {  	s2 =	sld [smem:$0x3FD9]  }
0x89: {  	s3 =	sld [smem:$0x3FFE];
	_ =	sdelay $0x1  }
0x8a: {  	s1 =	srdreg.scid  }
0x8b: {  	s0 =	sand.u32 $0x1, s1  }
0x8c: {  	s17 =	sshll.u32 s0, $0xA;
	s2 =	sadd.s32 s3, s2  }
0x8d: {  	s2 =	sadd.s32 s2, s17  }
0x8e: {  	[smem:$0x3FC4] =	sst s2  }
0x8f: {  	_ = 	snop  }
0x90: {  	s2 =	sld [smem:$0x3FD0];
	(tm) =	ssettm $0x1  }
0x91: {  	s18 =	sld [smem:$0x3FFB];
	_ =	sdelay $0x3  }
0x92: {  	_ =	strace s18  }
0x93: {  	s3 =	sld [smem:$0x3FFC];
	_ =	sdelay $0x3  }
0x94: {  	_ =	strace s3  }
0x95: {  	s3 =	sld [smem:$0x3FFD];
	_ =	sdelay $0x3  }
0x96: {  	_ =	strace s3  }
0x97: {  	_ =	strace $0x8FFFFFFF  }
0x98: {  	s19 =	sld [smem:$0x3FDB];
	_ =	sdelay $0x1  }
0x99: {  	s4 =	simm.s32 $_scs_section_size  }
0x9a: {  	s5 =	simm.s32 $_size__tile_overlayer_lowered;
	s6 =	simm.s32 $_tile_overlayer_lowered  }
0x9b: {  	s22 =	simm.s32 $0x1BFF;
	s21 =	sshll.u32 s6, $0x1;
	s3 =	sadd.s32 s4, s19  }
0x9c: {  	s7 =	simm.s32 $0x0;
	s20 =	sshll.u32 s5, $0x1;
	s5 =	sadd.s32 s21, s3  }
0x9d: {  	[timem:s7], [sflag:s22] =	dma.local [hbm:s5], s20  }
0x9e: {  	_ =	swait.ge [sflag:s22], s20  }
0x9f: {  	s4 =	ssub.s32 $0x0, s20;
	[sflag:s22] =	ssyncset.done $0x0  }
0xa0: {  	[sflag:s22] =	ssyncadd.s32 s4;
	_ =	sdelay $0x1  }
0xa1: {  	s23 =	simm.s32 $0x1B8B  }
0xa2: {  	_ =	swait.ge [sflag:s23], $0x1  }
0xa3: {  	[sflag:s23] =	ssyncset.done $0x0  }
0xa4: {  	s25 =	simm.s32 $0x1B8E;
	s24 =	sld [smem:$0x3FFE];
	[sflag:s23] =	ssyncadd.s32 $0xFFFFFFFF  }
0xa5: {  	s26 =	simm.s32 $execute0_lowered;
	[smem:$0x3FD2] =	sst s25  }
0xa6: {  	s5 =	sshll.u32 s26, $0x1;
	_ =	strace $0x80000049;
	[dreg:$0x1] =	wrdreg $0xFFFFFFFF  }
0xa7: {  	s28 =	simm.s32 $_size_execute0_lowered;
	s3 =	sadd.s32 s3, s5;
	[dreg:$0x0] =	wrdreg $0x0  }
0xa8: {  	s5 =	sshll.u32 s28, $0x1;
	[dreg:$0x2] =	wrdreg s3  }
0xa9: {  	[dreg:$0x3] =	wrdreg s5  }
0xaa: {  	[dreg:$0x4] =	wrdreg $0xC0  }
0xab: {  	_ =	task [dreg:s7], $0x5FFFF  }
0xac: {  	[dreg:$0x1] =	wrdreg $0xFFFFFFFF  }
0xad: {  	[dreg:$0x0] =	wrdreg $0x60  }
0xae: {  	[dreg:$0x2] =	wrdreg s2  }
0xaf: {  	[dreg:$0x3] =	wrdreg s24  }
0xb0: {  	[dreg:$0x4] =	wrdreg $0x82000  }
0xb1: {  	[dreg:$0x5] =	wrdreg $0x9  }
0xb2: {  	_ =	task.clear_ibuf [dreg:s7], $0x6FFFF;
	_ =	strace $0x90000049  }
0xb3: {  	s29 =	simm.s32 $0x9;
	_ =	strace $0x8000004B  }
0xb4: {  	_ =	swait.ge [sflag:s29], $0x1  }
0xb5: {  	[sflag:s29] =	ssyncadd.s32 $0xFFFFFFFF  }
0xb6: {  	_ =	strace $0x9000004B  }
0xb7: {  	_ =	sfence  }
0xb8: {  	s30 =	sld [smem:$0x0];
	_ =	sdelay $0x2  }
0xb9: {  	s31 =	sshll.u32 s1, $0xD;
	s1 =	sshrl.u32 s1, $0x2  }
0xba: {  	s3 =	sand.u32 $0x4000, s31;
	s1 =	sadd.s32 s1, s30  }
0xbb: {  	s0 =	sor.u32 s3, s0;
	s1 =	sshll.u32 s1, $0x11  }
0xbc: {  	s0 =	sor.u32 s1, s0  }
0xbd: {  	s0 =	sadd.s32 $0x8F2B, s0  }
0xbe: {  	[sflag:s0] =	ssyncadd.remote.s32 $0x1  }
0xbf: {  	_ =	sfence.sel $0xFFFF  }
0xc0: {  	[dreg:$0x0] =	wrdreg $0xFFFFFFFF;
	(pc) =	sbr.abs _section_cstart, $3  }
0xc1: {  	[dreg:$0x1] =	wrdreg $0xFFFFFFFF  }
0xc2: {  	_ =	task.clear_ibuf [dreg:s7], $0x2FFFF;
	_ =	strace $0x9FFFFFFF  }
0xc3: {  	(tm) =	ssettm $0x7FFFFFFF  }
tec
execute0_lowered:
.L_overlay_start_1:
0x0: {  	(tag) =	ssettag $0x1  }
0x1: {  	s1 =	rddreg [dreg:$0x0]  }
0x2: {  	s0 =	rddreg [dreg:$0x1]  }
0x3: {  	s2 =	rddreg [dreg:$0x2];
	s3 =	simm.s32 $0x0;
	s4 =	srdreg.scid  }
0x4: {  	s12 =	stileid.u32;
	s28 =	simm.s32 $0x200;
	s29 =	simm.s32 $0x3  }
0x5: {  	[smem:$0x7FF] =	sst s3;
	s4 =	sand.u32 $0x1, s4;
	s5 =	sadd.s32 $0x5B400, s0  }
0x6: {  	s9 =	smul.u32 $0x50000, s12;
	s6 =	sadd.s32 $0x1400, s0;
	s0 =	sadd.s32 $0x65400, s0  }
0x7: {  	s14 =	sshll.u32 s12, $0x5;
	s10 =	sshll.u32 s12, $0x7;
	s12 =	smul.u32 $0x14000, s12  }
0x8: {  	_ =	strace $0x8000004A;
	s7 =	ssub.s32 $0x2, s4;
	p0 =	seq.s32 s4, $0x0  }
0x9: {  	s11 =	sor.u32 $0x800, s14;
	s4 =	smul.u32 $0x140000, s4;
	s8 =	sshrl.u32 s7, $0x1  }
0xa: {  	s13 =	sshrl.u32 s9, $0x2;
	s11 =	smov.u32 @p0 s10;
	s9 =	simm.s32 $0x80  }
0xb: {  	s14 =	sadd.s32 $0x4000, s12;
	s22 =	sadd.s32 $0x8000, s12;
	s23 =	sadd.s32 $0xC000, s12  }
0xc: {  	s8 =	ssub.s32 s7, s8;
	s7 =	sadd.s32 s13, s2;
	s10 =	sshll.u32 s11, $0x4  }
0xd: {  	s9 =	simm.s32 @!p0 $0x20;
	s15 =	sadd.s32 s4, s12;
	s17 =	sadd.s32 s4, s14  }
0xe: {  	s12 =	sadd.s32 $0x10000, s12;
	s24 =	sadd.s32 s4, s22;
	s25 =	sadd.s32 s14, s2  }
0xf: {  	s26 =	sadd.s32 s22, s2;
	s30 =	sadd.s32 s23, s2;
	s16 =	sadd.s32 s5, s10  }
0x10: {  	s13 =	sadd.s32 $0xFFFFFFFE, s9;
	s11 =	sshrl.u32 s15, $0x3;
	s8 =	smax.u32 s8, $0x1  }
0x11: {  	s18 =	sadd.s32 $0x4000, s7;
	s19 =	sshrl.u32 s17, $0x3;
	[dreg:$0x4] =	wrdreg s13  }
0x12: {  	s20 =	sadd.s32 $0x8000, s7;
	s21 =	sadd.s32 $0xC000, s7;
	[dreg:$0x6] =	wrdreg s8  }
0x13: {  	s15 =	sadd.s32 s4, s23;
	s4 =	sadd.s32 s4, s12;
	[dreg:$0x7] =	wrdreg s18  }
0x14: {  	s31 =	sadd.s32 s12, s2;
	s22 =	sshrl.u32 s25, $0x3;
	[dreg:$0x8] =	wrdreg s20  }
0x15: {  	s23 =	sshrl.u32 s26, $0x3;
	s11 =	sadd.s32 s0, s11;
	[dreg:$0x9] =	wrdreg s21  }
0x16: {  	s8 =	sadd.s32 s0, s19;
	s13 =	sshrl.u32 s24, $0x3;
	s15 =	sshrl.u32 s15, $0x3  }
0x17: {  	s4 =	sshrl.u32 s4, $0x3;
	s21 =	sadd.s32 $0x10000, s7;
	s24 =	sshrl.u32 s30, $0x3  }
0x18: {  	s25 =	sshrl.u32 s31, $0x3;
	s18 =	smov.u32 s16;
	[dreg:$0x5] =	wrdreg s11  }
0x19: {  	s26 =	sadd.s32 $0x20, s16;
	[dreg:$0xa] =	wrdreg s8;
	s13 =	sadd.s32 s0, s13  }
0x1a: {  	v0 =	vimm.f32 $0.0e+00;
	s19 =	sadd.s32 s0, s15;
	s20 =	sadd.s32 s0, s4;
	[dreg:$0xb] =	wrdreg s13  }
.LBB2_1:
0x1b: {  	s0 =	simm.s32 $0x0;
	s4 =	simm.s32 $0x200  }
.LBB2_2:
0x1c: {  	p0 =	sne.s32 s4, $0xFE00;
	[tilespmem:s0+$0x270] =	vst v0  }
0x1d: {  	[tilespmem:s0+$0x200] =	vst v0  }
0x1e: {  	[tilespmem:s0+$0x210] =	vst v0  }
.Ltmp0:
0x1f: {  	[tilespmem:s0+$0x220] =	vst v0;
	(pc) =	sbr.rel @p0 .LBB2_2-.Ltmp0, $4  }
0x20: {  	[tilespmem:s0+$0x230] =	vst v0  }
0x21: {  	[tilespmem:s0+$0x240] =	vst v0  }
0x22: {  	[tilespmem:s0+$0x250] =	vst v0  }
0x23: {  	[tilespmem:s0+$0x260] =	vst v0;
	s0 =	sshra.s32 s4, $0x2;
	s4 =	sadd.s32 $0x200, s4  }
0x24: {  	[tilespmem:s0+$0x270] =	vst v0  }
0x25: {  	[tilespmem:s0+$0x200] =	vst v0  }
0x26: {  	[tilespmem:s0+$0x210] =	vst v0  }
0x27: {  	[tilespmem:s0+$0x220] =	vst v0  }
0x28: {  	[tilespmem:s0+$0x230] =	vst v0  }
0x29: {  	[tilespmem:s0+$0x240] =	vst v0  }
0x2a: {  	[tilespmem:s0+$0x250] =	vst v0  }
0x2b: {  	[tilespmem:s0+$0x260] =	vst v0  }
0x2c: {  	[spmem:s7] =	stream.linear.scatter [tilespmem:s28], [sflag:$0x3], $0x4000, $0x38;
	[tilespmem:$0x1C200] =	vst v63  }
0x2d: {  	_ =	swait.ge [sflag:s29], $0x4000  }
0x2e: {  	[sflag:s29] =	ssyncset.done $0x0  }
0x2f: {  	s14 =	rddreg [dreg:$0x7];
	[sflag:s29] =	ssyncadd.s32 $0xFFFFC000  }
0x30: {  	[spmem:s14] =	stream.linear.scatter [tilespmem:s28], [sflag:$0x3], $0x4000, $0x38;
	[tilespmem:$0x1C200] =	vst v63  }
0x31: {  	_ =	swait.ge [sflag:s29], $0x4000  }
0x32: {  	[sflag:s29] =	ssyncset.done $0x0  }
0x33: {  	s15 =	rddreg [dreg:$0x8];
	[sflag:s29] =	ssyncadd.s32 $0xFFFFC000  }
0x34: {  	[spmem:s15] =	stream.linear.scatter [tilespmem:s28], [sflag:$0x3], $0x4000, $0x38;
	[tilespmem:$0x1C200] =	vst v63  }
0x35: {  	_ =	swait.ge [sflag:s29], $0x4000  }
0x36: {  	[sflag:s29] =	ssyncset.done $0x0  }
0x37: {  	s16 =	rddreg [dreg:$0x9];
	[sflag:s29] =	ssyncadd.s32 $0xFFFFC000  }
0x38: {  	[spmem:s16] =	stream.linear.scatter [tilespmem:s28], [sflag:$0x3], $0x4000, $0x38;
	[tilespmem:$0x1C200] =	vst v63  }
0x39: {  	_ =	swait.ge [sflag:s29], $0x4000  }
0x3a: {  	[sflag:s29] =	ssyncset.done $0x0  }
0x3b: {  	[sflag:s29] =	ssyncadd.s32 $0xFFFFC000  }
0x3c: {  	[spmem:s21] =	stream.linear.scatter [tilespmem:s28], [sflag:$0x3], $0x4000, $0x38;
	[tilespmem:$0x1C200] =	vst v63  }
0x3d: {  	_ =	swait.ge [sflag:s29], $0x4000  }
0x3e: {  	[sflag:s29] =	ssyncset.done $0x0  }
0x3f: {  	[sflag:s29] =	ssyncadd.s32 $0xFFFFC000  }
0x40: {  	s0 =	simm.s32 $0x0;
	[bflag:$0x0] =	sbarrier.arrive $0xFFFF  }
0x41: {  	[tilespmem:s0], [sflag:$0x3] =	stream.linear.gather [hbm4b:s18+s0], $0x80, $0x38;
	[tilespmem:$0x1C200] =	vst v63  }
0x42: {  	_ =	swait.ge [sflag:s29], $0x80  }
0x43: {  	[sflag:s29] =	ssyncset.done $0x0  }
0x44: {  	s4 =	simm.s32 $0x80;
	p1 =	sle.u32 s9, $0x0;
	[sflag:s29] =	ssyncadd.s32 $0xFFFFFF80  }
0x45: {  	[tilespmem:s28], [sflag:$0x1] =	stream.indirect.gather [hbm4b:s1+s4], $0x80, s0, s4, $0xb8;
	[tilespmem:$0x1C200] =	vst v63  }
0x46: {  	s4 =	sadd.s32 @!p1 $0x0, s10  }
0x47: {  	s8 =	sand.u32 @!p1 $0x60, s0;
	s4 =	sand.u32 @!p1 $0xFFFFF80, s4  }
0x48: {  	s0 =	sor.u32 @!p1 s8, s4  }
0x49: {  	s13 =	simm.s32 @!p1 $0x4;
	s11 =	sor.u32 @!p1 $0x10, s0  }
0x4a: {  	s14 =	simm.s32 @!p1 $0x0;
	s0 =	simm.s32 @!p1 $0x80;
	s12 =	sadd.s32 @!p1 s5, s11  }
0x4b: {  	[tilespmem:s0], [sflag:$0x4] =	stream.linear.gather @!p1 [hbm4b:s12+s14], $0x80, $0x38;
	[tilespmem:$0x1C200] =	vst v63  }
0x4c: {  	p0 =	por p1, p1;
	_ =	swait.ge @!p1 [sflag:s13], $0x80  }
0x4d: {  	[sflag:s13] =	ssyncset.done @!p0 $0x0  }
0x4e: {  	s12 =	sadd.s32 @!p1 s6, s8;
	s8 =	simm.s32 @!p0 $0x4200;
	[sflag:s13] =	ssyncadd.s32 @!p0 $0xFFFFFF80  }
0x4f: {  	[tilespmem:s8], [sflag:$0x2] =	stream.indirect.gather @!p0 [hbm4b:s1+s0], $0x80, s0, s0, $0xb8;
	[tilespmem:$0x1C200] =	vst v63  }
0x50: {  	s15 =	simm.s32 @!p0 $0x100;
	s4 =	sadd.s32 @!p0 s4, s12  }
0x51: {  	[tilespmem:s15], [sflag:$0x4] =	stream.linear.gather @!p0 [hbm4b:s4+s14], $0x80, $0x38;
	[tilespmem:$0x1C200] =	vst v63  }
0x52: {  	_ =	swait.ge @!p0 [sflag:s13], $0x80  }
0x53: {  	[sflag:s13] =	ssyncset.done @!p0 $0x0  }
0x54: {  	s12 =	simm.s32 @!p0 $0x180;
	s4 =	sadd.s32 @!p1 s6, s11;
	[sflag:s13] =	ssyncadd.s32 @!p0 $0xFFFFFF80  }
0x55: {  	[tilespmem:s12], [sflag:$0x4] =	stream.linear.gather @!p0 [hbm4b:s4+s14], $0x80, $0x38;
	[tilespmem:$0x1C200] =	vst v63  }
0x56: {  	_ =	swait.ge @!p0 [sflag:s13], $0x80  }
0x57: {  	[sflag:s13] =	ssyncset.done @!p0 $0x0  }
0x58: {  	s4 =	simm.s32 @!p0 $0x1;
	[sflag:s13] =	ssyncadd.s32 @!p0 $0xFFFFFF80  }
0x59: {  	_ =	swait.ge @!p0 [sflag:s4], $0x4000  }
0x5a: {  	[sflag:s4] =	ssyncset.done @!p0 $0x0  }
0x5b: {  	[sflag:s4] =	ssyncadd.s32 @!p0 $0xFFFFC000;
	s4 =	simm.s32 @!p0 $0x200  }
0x5c: {  	[spmem:s2] =	stream.indirect.scatter.add.f32 @!p0 [tilespmem:s4], [sflag:$0x4], $0x80, s15, s0, $0xb8;
	[tilespmem:$0x1C200] =	vst v63  }
0x5d: {  	_ =	swait.ge @!p0 [sflag:s13], $0x4000  }
0x5e: {  	s17 =	rddreg [dreg:$0x4];
	[sflag:s13] =	ssyncset.done @!p0 $0x0  }
0x5f: {  	s30 =	simm.s32 $0x2;
	[sflag:s13] =	ssyncadd.s32 @!p0 $0xFFFFC000;
	p1 =	sle.u32 s17, $0x0  }
0x60: {  	s4 =	sadd.s32 @!p1 $0x0, s26;
	s11 =	simm.s32 @!p1 $0x0;
	s14 =	simm.s32 @!p1 $0x4  }
0x61: {  	[tilespmem:s11], [sflag:$0x4] =	stream.linear.gather @!p1 [hbm4b:s4+s11], $0x80, $0x38;
	[tilespmem:$0x1C200] =	vst v63  }
0x62: {  	s31 =	simm.s32 $0x20;
	p2 =	sle.u32 s9, $0x2;
	_ =	swait.ge @!p1 [sflag:s14], $0x80  }
0x63: {  	s13 =	simm.s32 @!p0 $0x2;
	s15 =	simm.s32 @!p1 $0x200;
	[sflag:s14] =	ssyncset.done @!p1 $0x0  }
0x64: {  	s4 =	simm.s32 $0x4;
	[sflag:s14] =	ssyncadd.s32 @!p1 $0xFFFFFF80;
	s14 =	simm.s32 @!p1 $0x80  }
0x65: {  	[tilespmem:s15], [sflag:$0x1] =	stream.indirect.gather @!p1 [hbm4b:s1+s14], $0x80, s11, s14, $0xb8;
	[tilespmem:$0x1C200] =	vst v63  }
0x66: {  	s14 =	sadd.s32 @!p2 $0x20, s10;
	s11 =	sand.u32 @!p2 $0x60, s31;
	_ =	swait.ge @!p0 [sflag:s13], $0x4000  }
0x67: {  	s14 =	sand.u32 @!p2 $0xFFFFF80, s14;
	s15 =	sadd.s32 @!p2 s6, s11;
	[sflag:s13] =	ssyncset.done @!p0 $0x0  }
.LBB2_4:
0x68: {  	[sflag:s13] =	ssyncadd.s32 @!p0 $0xFFFFC000;
	s16 =	simm.s32 @!p0 $0x3  }
0x69: {  	[spmem:s2] =	stream.indirect.scatter.add.f32 @!p0 [tilespmem:s8], [sflag:$0x3], $0x80, s12, s0, $0xb8;
	[tilespmem:$0x1C200] =	vst v63  }
0x6a: {  	s0 =	sor.u32 @!p2 s11, s14;
	s11 =	simm.s32 @!p2 $0x4;
	_ =	swait.ge @!p0 [sflag:s16], $0x4000  }
0x6b: {  	s8 =	sor.u32 @!p2 $0x10, s0;
	s0 =	simm.s32 @!p2 $0x80;
	[sflag:s16] =	ssyncset.done @!p0 $0x0  }
0x6c: {  	s12 =	sadd.s32 @!p2 s5, s8;
	[sflag:s16] =	ssyncadd.s32 @!p0 $0xFFFFC000;
	s16 =	simm.s32 @!p2 $0x0  }
0x6d: {  	[tilespmem:s0], [sflag:$0x4] =	stream.linear.gather @!p2 [hbm4b:s12+s16], $0x80, $0x38;
	[tilespmem:$0x1C200] =	vst v63  }
0x6e: {  	p0 =	por p2, p2;
	_ =	swait.ge @!p2 [sflag:s11], $0x80  }
0x6f: {  	[sflag:s11] =	ssyncset.done @!p0 $0x0  }
0x70: {  	s17 =	sadd.s32 @!p2 s6, s8;
	s8 =	simm.s32 @!p0 $0x4200;
	[sflag:s11] =	ssyncadd.s32 @!p0 $0xFFFFFF80  }
0x71: {  	[tilespmem:s8], [sflag:$0x2] =	stream.indirect.gather @!p0 [hbm4b:s1+s0], $0x80, s0, s0, $0xb8;
	[tilespmem:$0x1C200] =	vst v63  }
0x72: {  	s12 =	sadd.s32 @!p0 s14, s15;
	s14 =	simm.s32 @!p0 $0x100  }
0x73: {  	[tilespmem:s14], [sflag:$0x4] =	stream.linear.gather @!p0 [hbm4b:s12+s16], $0x80, $0x38;
	[tilespmem:$0x1C200] =	vst v63  }
0x74: {  	_ =	swait.ge @!p0 [sflag:s11], $0x80  }
0x75: {  	[sflag:s11] =	ssyncset.done @!p0 $0x0  }
0x76: {  	s12 =	simm.s32 @!p0 $0x180;
	[sflag:s11] =	ssyncadd.s32 @!p0 $0xFFFFFF80  }
0x77: {  	[tilespmem:s12], [sflag:$0x4] =	stream.linear.gather @!p0 [hbm4b:s17+s16], $0x80, $0x38;
	[tilespmem:$0x1C200] =	vst v63  }
0x78: {  	_ =	swait.ge @!p0 [sflag:s11], $0x80  }
0x79: {  	[sflag:s11] =	ssyncset.done @!p0 $0x0  }
0x7a: {  	s15 =	simm.s32 @!p0 $0x1;
	[sflag:s11] =	ssyncadd.s32 @!p0 $0xFFFFFF80  }
0x7b: {  	_ =	swait.ge @!p0 [sflag:s15], $0x4000  }
0x7c: {  	[sflag:s15] =	ssyncset.done @!p0 $0x0  }
0x7d: {  	[sflag:s15] =	ssyncadd.s32 @!p0 $0xFFFFC000;
	s15 =	simm.s32 @!p0 $0x200  }
0x7e: {  	[spmem:s2] =	stream.indirect.scatter.add.f32 @!p0 [tilespmem:s15], [sflag:$0x4], $0x80, s14, s0, $0xb8;
	[tilespmem:$0x1C200] =	vst v63  }
0x7f: {  	s13 =	smov.u32 s4;
	s4 =	sadd.s32 $0x2, s4;
	_ =	swait.ge @!p0 [sflag:s11], $0x4000  }
0x80: {  	p1 =	sne.s32 s4, $0x80;
	[sflag:s11] =	ssyncset.done @!p0 $0x0;
	s17 =	rddreg [dreg:$0x4]  }
0x81: {  	[sflag:s11] =	ssyncadd.s32 @!p0 $0xFFFFC000;
	p3 =	sge.u32 s30, s17;
	s30 =	smov.u32 s13  }
0x82: {  	s11 =	sadd.s32 @!p3 s31, s26;
	s14 =	simm.s32 @!p3 $0x0;
	s15 =	simm.s32 @!p3 $0x4  }
0x83: {  	[tilespmem:s14], [sflag:$0x4] =	stream.linear.gather @!p3 [hbm4b:s11+s14], $0x80, $0x38;
	[tilespmem:$0x1C200] =	vst v63  }
0x84: {  	s13 =	simm.s32 @!p0 $0x2;
	s31 =	sadd.s32 $0x20, s31;
	_ =	swait.ge @!p3 [sflag:s15], $0x80  }
.Ltmp1:
0x85: {  	p2 =	sge.u32 s30, s9;
	[sflag:s15] =	ssyncset.done @!p3 $0x0;
	(pc) =	sbr.rel @p1 .LBB2_4-.Ltmp1, $4  }
0x86: {  	s11 =	simm.s32 @!p3 $0x80;
	[sflag:s15] =	ssyncadd.s32 @!p3 $0xFFFFFF80;
	s15 =	simm.s32 @!p3 $0x200  }
0x87: {  	[tilespmem:s15], [sflag:$0x1] =	stream.indirect.gather @!p3 [hbm4b:s1+s11], $0x80, s14, s11, $0xb8;
	[tilespmem:$0x1C200] =	vst v63  }
0x88: {  	s14 =	sadd.s32 @!p2 s31, s10;
	s11 =	sand.u32 @!p2 $0x60, s31;
	_ =	swait.ge @!p0 [sflag:s13], $0x4000  }
0x89: {  	s14 =	sand.u32 @!p2 $0xFFFFF80, s14;
	s15 =	sadd.s32 @!p2 s6, s11;
	[sflag:s13] =	ssyncset.done @!p0 $0x0  }
0x8a: {  	[sflag:s13] =	ssyncadd.s32 @!p0 $0xFFFFC000;
	s4 =	simm.s32 @!p0 $0x3  }
0x8b: {  	[spmem:s2] =	stream.indirect.scatter.add.f32 @!p0 [tilespmem:s8], [sflag:$0x3], $0x80, s12, s0, $0xb8;
	[tilespmem:$0x1C200] =	vst v63  }
0x8c: {  	s0 =	sor.u32 @!p2 s11, s14;
	s8 =	simm.s32 @!p2 $0x4;
	_ =	swait.ge @!p0 [sflag:s4], $0x4000  }
0x8d: {  	s11 =	simm.s32 @!p2 $0x0;
	s0 =	sor.u32 @!p2 $0x10, s0;
	[sflag:s4] =	ssyncset.done @!p0 $0x0  }
0x8e: {  	s12 =	simm.s32 @!p2 $0x80;
	[sflag:s4] =	ssyncadd.s32 @!p0 $0xFFFFC000;
	s4 =	sadd.s32 @!p2 s5, s0  }
0x8f: {  	[tilespmem:s12], [sflag:$0x4] =	stream.linear.gather @!p2 [hbm4b:s4+s11], $0x80, $0x38;
	[tilespmem:$0x1C200] =	vst v63  }
0x90: {  	p0 =	por p2, p2;
	_ =	swait.ge @!p2 [sflag:s8], $0x80  }
0x91: {  	[sflag:s8] =	ssyncset.done @!p0 $0x0  }
0x92: {  	s4 =	simm.s32 @!p0 $0x4200;
	[sflag:s8] =	ssyncadd.s32 @!p0 $0xFFFFFF80  }
0x93: {  	[tilespmem:s4], [sflag:$0x2] =	stream.indirect.gather @!p0 [hbm4b:s1+s12], $0x80, s12, s12, $0xb8;
	[tilespmem:$0x1C200] =	vst v63  }
0x94: {  	s13 =	sadd.s32 @!p0 s14, s15;
	s14 =	simm.s32 @!p0 $0x100  }
0x95: {  	[tilespmem:s14], [sflag:$0x4] =	stream.linear.gather @!p0 [hbm4b:s13+s11], $0x80, $0x38;
	[tilespmem:$0x1C200] =	vst v63  }
0x96: {  	_ =	swait.ge @!p0 [sflag:s8], $0x80  }
0x97: {  	[sflag:s8] =	ssyncset.done @!p0 $0x0  }
0x98: {  	s0 =	sadd.s32 @!p2 s6, s0;
	s13 =	simm.s32 @!p0 $0x180;
	[sflag:s8] =	ssyncadd.s32 @!p0 $0xFFFFFF80  }
0x99: {  	[tilespmem:s13], [sflag:$0x4] =	stream.linear.gather @!p0 [hbm4b:s0+s11], $0x80, $0x38;
	[tilespmem:$0x1C200] =	vst v63  }
0x9a: {  	_ =	swait.ge @!p0 [sflag:s8], $0x80  }
0x9b: {  	[sflag:s8] =	ssyncset.done @!p0 $0x0  }
0x9c: {  	s0 =	simm.s32 @!p0 $0x1;
	[sflag:s8] =	ssyncadd.s32 @!p0 $0xFFFFFF80  }
0x9d: {  	_ =	swait.ge @!p0 [sflag:s0], $0x4000  }
0x9e: {  	[sflag:s0] =	ssyncset.done @!p0 $0x0  }
0x9f: {  	[sflag:s0] =	ssyncadd.s32 @!p0 $0xFFFFC000;
	s0 =	simm.s32 @!p0 $0x200  }
0xa0: {  	[spmem:s2] =	stream.indirect.scatter.add.f32 @!p0 [tilespmem:s0], [sflag:$0x4], $0x80, s14, s12, $0xb8;
	[tilespmem:$0x1C200] =	vst v63  }
0xa1: {  	_ =	swait.ge @!p0 [sflag:s8], $0x4000  }
0xa2: {  	s11 =	rddreg [dreg:$0x4];
	[sflag:s8] =	ssyncset.done @!p0 $0x0  }
0xa3: {  	[sflag:s8] =	ssyncadd.s32 @!p0 $0xFFFFC000;
	p1 =	sge.u32 s30, s11  }
0xa4: {  	s0 =	sadd.s32 @!p1 s31, s26;
	s8 =	simm.s32 @!p1 $0x0;
	s11 =	simm.s32 @!p1 $0x4  }
0xa5: {  	[tilespmem:s8], [sflag:$0x4] =	stream.linear.gather @!p1 [hbm4b:s0+s8], $0x80, $0x38;
	[tilespmem:$0x1C200] =	vst v63  }
0xa6: {  	_ =	swait.ge @!p1 [sflag:s11], $0x80  }
0xa7: {  	[sflag:s11] =	ssyncset.done @!p1 $0x0  }
0xa8: {  	s0 =	simm.s32 @!p1 $0x80;
	[sflag:s11] =	ssyncadd.s32 @!p1 $0xFFFFFF80;
	s11 =	simm.s32 @!p1 $0x200  }
0xa9: {  	[tilespmem:s11], [sflag:$0x1] =	stream.indirect.gather @!p1 [hbm4b:s1+s0], $0x80, s8, s0, $0xb8;
	[tilespmem:$0x1C200] =	vst v63  }
0xaa: {  	s0 =	simm.s32 @!p0 $0x2  }
0xab: {  	_ =	swait.ge @!p0 [sflag:s0], $0x4000  }
0xac: {  	[sflag:s0] =	ssyncset.done @!p0 $0x0  }
0xad: {  	[sflag:s0] =	ssyncadd.s32 @!p0 $0xFFFFC000;
	s0 =	simm.s32 @!p0 $0x3  }
0xae: {  	[spmem:s2] =	stream.indirect.scatter.add.f32 @!p0 [tilespmem:s4], [sflag:$0x3], $0x80, s13, s12, $0xb8;
	[tilespmem:$0x1C200] =	vst v63  }
0xaf: {  	_ =	swait.ge @!p0 [sflag:s0], $0x4000  }
0xb0: {  	[sflag:s0] =	ssyncset.done @!p0 $0x0  }
0xb1: {  	s14 =	stileid.u32;
	[sflag:s0] =	ssyncadd.s32 @!p0 $0xFFFFC000  }
0xb2: {  	s0 =	sshll.u32 s14, $0x6;
	[bflag:$0x0] =	sbarrier.arrive $0xFFFF  }
0xb3: {  	s15 =	sshrl.u32 s7, $0x3;
	s0 =	sor.u32 $0x1C03, s0;
	s16 =	rddreg [dreg:$0x5]  }
0xb4: {  	[hbm:s16], [sflag:s0] =	dma.local [spmem:s15], $0x800  }
0xb5: {  	_ =	swait.ge [sflag:s29], $0x800  }
0xb6: {  	[sflag:s29] =	ssyncset.done $0x0  }
0xb7: {  	s17 =	rddreg [dreg:$0xa];
	[sflag:s29] =	ssyncadd.s32 $0xFFFFF800  }
0xb8: {  	[hbm:s17], [sflag:s0] =	dma.local [spmem:s22], $0x800  }
0xb9: {  	_ =	swait.ge [sflag:s29], $0x800  }
0xba: {  	[sflag:s29] =	ssyncset.done $0x0  }
0xbb: {  	s30 =	rddreg [dreg:$0xb];
	[sflag:s29] =	ssyncadd.s32 $0xFFFFF800  }
0xbc: {  	[hbm:s30], [sflag:s0] =	dma.local [spmem:s23], $0x800  }
0xbd: {  	_ =	swait.ge [sflag:s29], $0x800  }
0xbe: {  	[sflag:s29] =	ssyncset.done $0x0  }
0xbf: {  	[sflag:s29] =	ssyncadd.s32 $0xFFFFF800  }
0xc0: {  	[hbm:s19], [sflag:s0] =	dma.local [spmem:s24], $0x800  }
0xc1: {  	_ =	swait.ge [sflag:s29], $0x800  }
0xc2: {  	[sflag:s29] =	ssyncset.done $0x0  }
0xc3: {  	[sflag:s29] =	ssyncadd.s32 $0xFFFFF800  }
0xc4: {  	[hbm:s20], [sflag:s0] =	dma.local [spmem:s25], $0x800  }
0xc5: {  	_ =	swait.ge [sflag:s29], $0x800  }
0xc6: {  	s3 =	sadd.s32 $0x1, s3;
	s31 =	rddreg [dreg:$0x6]  }
0xc7: {  	p0 =	sne.s32 s3, s31  }
.Ltmp2:
0xc8: {  	_ = 	snop;
	(pc) =	sbr.rel @p0 .LBB2_1-.Ltmp2, $3  }
0xc9: {  	_ =	sdelay $0x1  }
0xca: {  	[sflag:s29] =	ssyncset.done $0x0  }
0xcb: {  	[sflag:s29] =	ssyncadd.s32 $0xFFFFF800  }
0xcc: {  	_ =	sfence.sel $0x180000  }
0xcd: {  	[bflag:$0x0] =	sbarrier.arrive $0xFFFF  }
0xce: {  	_ =	strace $0x9000004A  }
0xcf: {  	s0 =	stileid.u32;
	[bflag:$0x2] =	sbarrier.arrive $0xFFFF  }
0xd0: {  	p0 =	sne.s32 s0, $0x0;
	s0 =	rddreg [dreg:$0x3]  }
0xd1: {  	s0 =	sadd.s32 @!p0 $0x100000, s0  }
0xd2: {  	[sflag:s0] =	ssyncadd.tile.s32 @!p0 $0x1;
	_ =	shalt  }
.Lfunc_end2:
_tile_overlayer_lowered:
.L_overlay_start_2:
0xd3: {  	(tag) =	ssettag $0x2  }
0xd4: {  	s0 =	rddreg [dreg:$0x0];
	s2 =	stileid.u32  }
0xd5: {  	s1 =	rddreg [dreg:$0x1];
	p0 =	sne.s32 s2, $0x0  }
0xd6: {  	s3 =	rddreg [dreg:$0x2];
	[bflag:$0x3] =	sbarrier.arrive $0xFFFF;
	s2 =	simm.s32 @!p0 $0x1C03  }
0xd7: {  	[timem:s3], [sflag:s2] =	dma.local @!p0 [hbm:s0], s1  }
0xd8: {  	s0 =	simm.s32 @!p0 $0x3  }
0xd9: {  	_ =	swait.ge @!p0 [sflag:s0], s1  }
0xda: {  	s1 =	ssub.s32 @!p0 $0x0, s1;
	[sflag:s0] =	ssyncset.done @!p0 $0x0  }
0xdb: {  	[sflag:s0] =	ssyncadd.s32 @!p0 s1  }
0xdc: {  	[bflag:$0x3] =	sbarrier.arrive $0xFFFF  }
0xdd: {  	_ =	shalt  }

// kernel: kernel.7.cloned.1.call-start
scs
__scs_entry_jumppad:
0x0: {  	(pc) =	sbr.rel $0x88, $3  }
0x1: {  	(tag) =	ssettag $0x0;
	lr =	simm.s32 $0x1  }
0x2: {  	[smem:$0x3F9D] =	sst lr;
	_ =	strace $0xD0000000  }
0x3: {  	_ = 	snop  }
0x4: {  	_ = 	snop  }
0x5: {  	_ = 	snop  }
0x6: {  	_ = 	snop  }
0x7: {  	_ = 	snop  }
__scs_overlays_trampoline_lowered:
0x8: {  	[smem:$0x3FAC] =	sst s0  }
0x9: {  	[smem:$0x3FAD] =	sst s1  }
0xa: {  	[smem:$0x3FAE] =	sst s2  }
0xb: {  	[smem:$0x3FAF] =	sst s3  }
0xc: {  	[smem:$0x3FB0] =	sst s4  }
0xd: {  	[smem:$0x3FB1] =	sst s5  }
0xe: {  	[smem:$0x3FB2] =	sst s6  }
0xf: {  	[smem:$0x3FB3] =	sst s7  }
0x10: {  	[smem:$0x3FB4] =	sst s8  }
0x11: {  	[smem:$0x3FB5] =	sst s9;
	s0 =	simm.s32 @!p0 $0x0  }
0x12: {  	s1 =	sld [smem:$0x3F9B];
	s0 =	simm.s32 @p0 $0x1  }
0x13: {  	[smem:$0x3FB6] =	sst s0;
	s0 =	simm.s32 @!p1 $0x0  }
0x14: {  	s2 =	sld [smem:$0x3F9A];
	s0 =	simm.s32 @p1 $0x1  }
0x15: {  	[smem:$0x3FB7] =	sst s0;
	s0 =	simm.s32 @!p2 $0x0  }
0x16: {  	s3 =	sld [smem:$0x3FDB];
	s0 =	simm.s32 @p2 $0x1  }
0x17: {  	s4 =	simm.s32 $0x1BF5;
	[smem:$0x3FB9] =	sst s0  }
0x18: {  	s0 =	sld [smem:$0x3F9C];
	_ =	swait.ge [sflag:s4], $0x0  }
0x19: {  	s7 =	sld [smem:$0x3F9D]  }
0x1a: {  	s8 =	sadd.s32 $0xFFFFE003, lr  }
0x1b: {  	s9 =	sadd.s32 $0xFFFFFEF7, lr;
	s5 =	simm.s32 $0xFFFFFFFF;
	p2 =	slt.u32 s8, $0xFFFFF086  }
0x1c: {  	p1 =	slt.u32 s9, $0xF7A;
	s5 =	simm.s32 @!p2 $0x0  }
0x1d: {  	s5 =	simm.s32 @p1 $0x1;
	p0 =	seq.s32 s7, s2  }
0x1e: {  	s7 =	smul.u32 @!p0 $0xF7A, s2;
	p2 =	seq.s32 @!p0 s5, $0x0  }
0x1f: {  	s9 =	smul.u32 $0xF7A, s1;
	s8 =	simm.s32 @!p0 $0x1BF5;
	p2 =	por !p2, p0  }
0x20: {  	[sflag:s8] =	ssyncset.s32 @!p0 $0xFFFFF086;
	s6 =	sadd.s32 @!p0 s3, s7;
	s7 =	simm.s32 @!p0 $0x108  }
0x21: {  	s3 =	sadd.s32 s3, s9;
	s6 =	sadd.s32 @!p0 $0x88, s6;
	s7 =	simm.s32 @p2 $0x1082  }
0x22: {  	[simem:s7], [sflag:s8] =	dma.local @!p0 [hbm:s6], $0xF7A  }
0x23: {  	s9 =	sor.u32 $0xD0000000, s2;
	s6 =	simm.s32 $0x108;
	_ =	swait.ge @!p0 [sflag:s8], $0x0  }
0x24: {  	s3 =	sadd.s32 $0x88, s3;
	s6 =	simm.s32 @!p1 $0x1082;
	[sflag:s4] =	ssyncset.s32 $0xFFFFF086  }
0x25: {  	[simem:s6], [sflag:s4] =	dma.local [hbm:s3], $0xF7A  }
0x26: {  	[smem:$0x3F9D] =	sst s1;
	(tag) =	ssettag s2;
	_ =	strace s9  }
0x27: {  	s1 =	sld [smem:$0x3FAD]  }
0x28: {  	s2 =	sld [smem:$0x3FAE]  }
0x29: {  	s4 =	sld [smem:$0x3FB0]  }
0x2a: {  	p0 =	seq.s32 s5, $0x0;
	s5 =	sld [smem:$0x3FB1]  }
0x2b: {  	s6 =	sld [smem:$0x3FB2]  }
0x2c: {  	s7 =	sld [smem:$0x3FB3]  }
0x2d: {  	s3 =	simm.s32 $0x108;
	s8 =	sld [smem:$0x3FB4]  }
0x2e: {  	s3 =	simm.s32 @!p0 $0x1082;
	s9 =	sld [smem:$0x3FB5]  }
0x2f: {  	lr =	sadd.s32 s0, s3;
	s0 =	sld [smem:$0x3FAC]  }
0x30: {  	s3 =	sld [smem:$0x3FAF]  }
0x31: {  	[smem:$0x3FB8] =	sst s10  }
0x32: {  	s10 =	sld [smem:$0x3FB6];
	_ =	sdelay $0x3  }
0x33: {  	p0 =	seq.s32 s10, $0x1;
	s10 =	sld [smem:$0x3FB8];
	_ =	sdelay $0x3  }
0x34: {  	[smem:$0x3FB8] =	sst s10  }
0x35: {  	s10 =	sld [smem:$0x3FB7];
	_ =	sdelay $0x3  }
0x36: {  	p1 =	seq.s32 s10, $0x1;
	s10 =	sld [smem:$0x3FB8];
	_ =	sdelay $0x3  }
0x37: {  	[smem:$0x3FB8] =	sst s10  }
0x38: {  	s10 =	sld [smem:$0x3FB9]  }
0x39: {  	_ = 	snop;
	(pc) =	sbr.ind lr, $3  }
0x3a: {  	_ = 	snop  }
0x3b: {  	_ = 	snop  }
0x3c: {  	p2 =	seq.s32 s10, $0x1;
	s10 =	sld [smem:$0x3FB8]  }
0x3d: {  	_ =	shalt  }
0x3e: {  	_ =	shalt  }
0x3f: {  	_ =	shalt  }
0x40: {  	_ =	shalt  }
0x41: {  	_ =	shalt  }
0x42: {  	_ =	shalt  }
0x43: {  	_ =	shalt  }
0x44: {  	_ =	shalt  }
0x45: {  	_ =	shalt  }
0x46: {  	_ =	shalt  }
0x47: {  	_ =	shalt  }
0x48: {  	_ =	shalt  }
0x49: {  	_ =	shalt  }
0x4a: {  	_ =	shalt  }
0x4b: {  	_ =	shalt  }
0x4c: {  	_ =	shalt  }
0x4d: {  	_ =	shalt  }
0x4e: {  	_ =	shalt  }
0x4f: {  	_ =	shalt  }
0x50: {  	_ =	shalt  }
0x51: {  	_ =	shalt  }
0x52: {  	_ =	shalt  }
0x53: {  	_ =	shalt  }
0x54: {  	_ =	shalt  }
0x55: {  	_ =	shalt  }
0x56: {  	_ =	shalt  }
0x57: {  	_ =	shalt  }
0x58: {  	_ =	shalt  }
0x59: {  	_ =	shalt  }
0x5a: {  	_ =	shalt  }
0x5b: {  	_ =	shalt  }
0x5c: {  	_ =	shalt  }
0x5d: {  	_ =	shalt  }
0x5e: {  	_ =	shalt  }
0x5f: {  	_ =	shalt  }
0x60: {  	_ =	shalt  }
0x61: {  	_ =	shalt  }
0x62: {  	_ =	shalt  }
0x63: {  	_ =	shalt  }
0x64: {  	_ =	shalt  }
0x65: {  	_ =	shalt  }
0x66: {  	_ =	shalt  }
0x67: {  	_ =	shalt  }
0x68: {  	_ =	shalt  }
0x69: {  	_ =	shalt  }
0x6a: {  	_ =	shalt  }
0x6b: {  	_ =	shalt  }
0x6c: {  	_ =	shalt  }
0x6d: {  	_ =	shalt  }
0x6e: {  	_ =	shalt  }
0x6f: {  	_ =	shalt  }
0x70: {  	_ =	shalt  }
0x71: {  	_ =	shalt  }
0x72: {  	_ =	shalt  }
0x73: {  	_ =	shalt  }
0x74: {  	_ =	shalt  }
0x75: {  	_ =	shalt  }
0x76: {  	_ =	shalt  }
0x77: {  	_ =	shalt  }
0x78: {  	_ =	shalt  }
0x79: {  	_ =	shalt  }
0x7a: {  	_ =	shalt  }
0x7b: {  	_ =	shalt  }
0x7c: {  	_ =	shalt  }
0x7d: {  	_ =	shalt  }
0x7e: {  	_ =	shalt  }
0x7f: {  	_ =	shalt  }
0x80: {  	_ =	shalt  }
0x81: {  	_ =	shalt  }
0x82: {  	_ =	shalt  }
0x83: {  	_ =	shalt  }
0x84: {  	_ =	shalt  }
0x85: {  	_ =	shalt  }
0x86: {  	_ =	shalt  }
0x87: {  	_ =	shalt  }
.Lfunc_end0:
.L_simem_size_0:
called_computation_lowered:
.L_overlay_start_0:
0x88: {  	s2 =	sld [smem:$0x3FD9]  }
0x89: {  	s3 =	sld [smem:$0x3FFE];
	_ =	sdelay $0x1  }
0x8a: {  	s1 =	srdreg.scid  }
0x8b: {  	s0 =	sand.u32 $0x1, s1  }
0x8c: {  	s17 =	sshll.u32 s0, $0xA;
	s2 =	sadd.s32 s3, s2  }
0x8d: {  	s2 =	sadd.s32 s2, s17  }
0x8e: {  	[smem:$0x3FC4] =	sst s2  }
0x8f: {  	_ = 	snop  }
0x90: {  	s2 =	sld [smem:$0x3FD0];
	(tm) =	ssettm $0x1  }
0x91: {  	s18 =	sld [smem:$0x3FFB];
	_ =	sdelay $0x3  }
0x92: {  	_ =	strace s18  }
0x93: {  	s3 =	sld [smem:$0x3FFC];
	_ =	sdelay $0x3  }
0x94: {  	_ =	strace s3  }
0x95: {  	s3 =	sld [smem:$0x3FFD];
	_ =	sdelay $0x3  }
0x96: {  	_ =	strace s3  }
0x97: {  	_ =	strace $0x8FFFFFFF  }
0x98: {  	s19 =	sld [smem:$0x3FDB];
	_ =	sdelay $0x1  }
0x99: {  	s4 =	simm.s32 $_scs_section_size  }
0x9a: {  	s5 =	simm.s32 $_size__tile_overlayer_lowered;
	s6 =	simm.s32 $_tile_overlayer_lowered  }
0x9b: {  	s22 =	simm.s32 $0x1BFF;
	s21 =	sshll.u32 s6, $0x1;
	s3 =	sadd.s32 s4, s19  }
0x9c: {  	s7 =	simm.s32 $0x0;
	s20 =	sshll.u32 s5, $0x1;
	s5 =	sadd.s32 s21, s3  }
0x9d: {  	[timem:s7], [sflag:s22] =	dma.local [hbm:s5], s20  }
0x9e: {  	_ =	swait.ge [sflag:s22], s20  }
0x9f: {  	s4 =	ssub.s32 $0x0, s20;
	[sflag:s22] =	ssyncset.done $0x0  }
0xa0: {  	[sflag:s22] =	ssyncadd.s32 s4;
	_ =	sdelay $0x1  }
0xa1: {  	s23 =	simm.s32 $0x1B8B  }
0xa2: {  	_ =	swait.ge [sflag:s23], $0x1  }
0xa3: {  	[sflag:s23] =	ssyncset.done $0x0  }
0xa4: {  	s25 =	simm.s32 $0x1B8E;
	s24 =	sld [smem:$0x3FFE];
	[sflag:s23] =	ssyncadd.s32 $0xFFFFFFFF  }
0xa5: {  	s26 =	simm.s32 $execute0_lowered;
	[smem:$0x3FD2] =	sst s25  }
0xa6: {  	s5 =	sshll.u32 s26, $0x1;
	_ =	strace $0x80000046;
	[dreg:$0x1] =	wrdreg $0xFFFFFFFF  }
0xa7: {  	s28 =	simm.s32 $_size_execute0_lowered;
	s3 =	sadd.s32 s3, s5;
	[dreg:$0x0] =	wrdreg $0x0  }
0xa8: {  	s5 =	sshll.u32 s28, $0x1;
	[dreg:$0x2] =	wrdreg s3  }
0xa9: {  	[dreg:$0x3] =	wrdreg s5  }
0xaa: {  	[dreg:$0x4] =	wrdreg $0xC0  }
0xab: {  	_ =	task [dreg:s7], $0x5FFFF  }
0xac: {  	[dreg:$0x1] =	wrdreg $0xFFFFFFFF  }
0xad: {  	[dreg:$0x0] =	wrdreg $0x60  }
0xae: {  	[dreg:$0x2] =	wrdreg s2  }
0xaf: {  	[dreg:$0x3] =	wrdreg s24  }
0xb0: {  	[dreg:$0x4] =	wrdreg $0x40800  }
0xb1: {  	[dreg:$0x5] =	wrdreg $0x9  }
0xb2: {  	_ =	task.clear_ibuf [dreg:s7], $0x6FFFF;
	_ =	strace $0x90000046  }
0xb3: {  	s29 =	simm.s32 $0x9;
	_ =	strace $0x80000048  }
0xb4: {  	_ =	swait.ge [sflag:s29], $0x1  }
0xb5: {  	[sflag:s29] =	ssyncadd.s32 $0xFFFFFFFF  }
0xb6: {  	_ =	strace $0x90000048  }
0xb7: {  	_ =	sfence  }
0xb8: {  	s30 =	sld [smem:$0x0];
	_ =	sdelay $0x2  }
0xb9: {  	s31 =	sshll.u32 s1, $0xD;
	s1 =	sshrl.u32 s1, $0x2  }
0xba: {  	s3 =	sand.u32 $0x4000, s31;
	s1 =	sadd.s32 s1, s30  }
0xbb: {  	s0 =	sor.u32 s3, s0;
	s1 =	sshll.u32 s1, $0x11  }
0xbc: {  	s0 =	sor.u32 s1, s0  }
0xbd: {  	s0 =	sadd.s32 $0x8F2B, s0  }
0xbe: {  	[sflag:s0] =	ssyncadd.remote.s32 $0x1  }
0xbf: {  	_ =	sfence.sel $0xFFFF  }
0xc0: {  	[dreg:$0x0] =	wrdreg $0xFFFFFFFF;
	(pc) =	sbr.abs _section_cstart, $3  }
0xc1: {  	[dreg:$0x1] =	wrdreg $0xFFFFFFFF  }
0xc2: {  	_ =	task.clear_ibuf [dreg:s7], $0x2FFFF;
	_ =	strace $0x9FFFFFFF  }
0xc3: {  	(tm) =	ssettm $0x7FFFFFFF  }
tec
execute0_lowered:
.L_overlay_start_1:
0x0: {  	(tag) =	ssettag $0x1  }
0x1: {  	s15 =	rddreg [dreg:$0x0]  }
0x2: {  	s4 =	rddreg [dreg:$0x1]  }
0x3: {  	s2 =	rddreg [dreg:$0x2];
	s1 =	stileid.u32  }
0x4: {  	s3 =	srdreg.scid;
	s6 =	smul.u32 $0x50000, s1  }
0x5: {  	s0 =	rddreg [dreg:$0x3];
	s14 =	smul.u32 $0x14000, s1  }
0x6: {  	s5 =	sand.u32 $0x1, s3;
	s3 =	simm.s32 $0x0;
	s18 =	smul.u32 $0x2800, s1  }
0x7: {  	s16 =	sadd.s32 $0xB400, s4;
	s7 =	ssub.s32 $0x2, s5;
	s13 =	smul.u32 $0x140000, s5  }
0x8: {  	[smem:$0x7FF] =	sst s3;
	s17 =	smul.u32 $0x28000, s5;
	s8 =	sshrl.u32 s7, $0x1  }
0x9: {  	_ =	strace $0x80000047;
	s22 =	sshrl.u32 s6, $0x2;
	s12 =	sadd.s32 $0x4000, s14  }
0xa: {  	s19 =	sadd.s32 $0x8000, s14;
	s25 =	sadd.s32 $0xC000, s14;
	s7 =	ssub.s32 s7, s8  }
0xb: {  	s23 =	sadd.s32 s13, s14;
	s4 =	sadd.s32 s22, s2;
	s10 =	sadd.s32 s13, s12  }
0xc: {  	s20 =	sadd.s32 s13, s19;
	s21 =	sadd.s32 s12, s2;
	s22 =	sadd.s32 s13, s25  }
0xd: {  	s19 =	sadd.s32 s19, s2;
	s17 =	sadd.s32 s18, s17;
	s5 =	sshrl.u32 s23, $0x3  }
0xe: {  	s6 =	smax.u32 s7, $0x1;
	s7 =	sadd.s32 $0x4000, s4;
	s8 =	sadd.s32 $0x8000, s4  }
0xf: {  	s9 =	sadd.s32 $0xC000, s4;
	s11 =	sshrl.u32 s10, $0x3;
	s10 =	sadd.s32 $0x10000, s4  }
0x10: {  	s24 =	sshrl.u32 s20, $0x3;
	s23 =	sadd.s32 $0x10000, s14;
	s26 =	sshrl.u32 s22, $0x3  }
0x11: {  	s20 =	sadd.s32 s25, s2;
	s30 =	sshrl.u32 s17, $0x3;
	s17 =	simm.s32 $0x1  }
0x12: {  	s18 =	sshrl.u32 s21, $0x3;
	s19 =	sshrl.u32 s19, $0x3;
	s22 =	simm.s32 $0x0  }
0x13: {  	s5 =	sadd.s32 s16, s5;
	s11 =	sadd.s32 s16, s11;
	s12 =	sadd.s32 s16, s24  }
0x14: {  	s28 =	sadd.s32 s13, s23;
	s13 =	sadd.s32 s16, s26;
	s31 =	sadd.s32 s23, s2  }
0x15: {  	s15 =	sadd.s32 s30, s15;
	s20 =	sshrl.u32 s20, $0x3;
	s29 =	sshrl.u32 s28, $0x3  }
0x16: {  	v0 =	vimm.f32 $0.0e+00;
	v1 =	vimm.f32 $1.000000000e+00;
	s21 =	sshrl.u32 s31, $0x3;
	s14 =	sadd.s32 s16, s29;
	s16 =	simm.s32 $0x80  }
.LBB2_1:
0x17: {  	s23 =	simm.s32 $0x200;
	s24 =	simm.s32 $0x0  }
.LBB2_2:
0x18: {  	p0 =	sne.s32 s23, $0xFE00;
	[tilespmem:s24+$0x80] =	vst v0;
	s24 =	smov.u32 s23;
	s23 =	sadd.s32 $0x200, s23  }
.Ltmp0:
0x19: {  	(pc) =	sbr.rel @p0 .LBB2_2-.Ltmp0, $2  }
0x1a: {  	_ =	sdelay $0x2  }
0x1b: {  	s24 =	sshra.s32 s24, $0x2  }
0x1c: {  	[tilespmem:s24+$0x80] =	vst v0  }
0x1d: {  	[spmem:s4] =	stream.linear.scatter [tilespmem:s16], [sflag:$0x1], $0x4000, $0x38;
	[tilespmem:$0x6880] =	vst v63  }
0x1e: {  	_ =	swait.ge [sflag:s17], $0x4000  }
0x1f: {  	[sflag:s17] =	ssyncset.done $0x0  }
0x20: {  	[sflag:s17] =	ssyncadd.s32 $0xFFFFC000  }
0x21: {  	[spmem:s7] =	stream.linear.scatter [tilespmem:s16], [sflag:$0x1], $0x4000, $0x38;
	[tilespmem:$0x6880] =	vst v63  }
0x22: {  	_ =	swait.ge [sflag:s17], $0x4000  }
0x23: {  	[sflag:s17] =	ssyncset.done $0x0  }
0x24: {  	[sflag:s17] =	ssyncadd.s32 $0xFFFFC000  }
0x25: {  	[spmem:s8] =	stream.linear.scatter [tilespmem:s16], [sflag:$0x1], $0x4000, $0x38;
	[tilespmem:$0x6880] =	vst v63  }
0x26: {  	_ =	swait.ge [sflag:s17], $0x4000  }
0x27: {  	[sflag:s17] =	ssyncset.done $0x0  }
0x28: {  	[sflag:s17] =	ssyncadd.s32 $0xFFFFC000  }
0x29: {  	[spmem:s9] =	stream.linear.scatter [tilespmem:s16], [sflag:$0x1], $0x4000, $0x38;
	[tilespmem:$0x6880] =	vst v63  }
0x2a: {  	_ =	swait.ge [sflag:s17], $0x4000  }
0x2b: {  	[sflag:s17] =	ssyncset.done $0x0  }
0x2c: {  	[sflag:s17] =	ssyncadd.s32 $0xFFFFC000  }
0x2d: {  	[spmem:s10] =	stream.linear.scatter [tilespmem:s16], [sflag:$0x1], $0x4000, $0x38;
	[tilespmem:$0x6880] =	vst v63  }
0x2e: {  	_ =	swait.ge [sflag:s17], $0x4000  }
0x2f: {  	[sflag:s17] =	ssyncset.done $0x0  }
0x30: {  	s23 =	simm.s32 $0x200;
	s24 =	simm.s32 $0x0;
	[sflag:s17] =	ssyncadd.s32 $0xFFFFC000  }
.LBB2_4:
0x31: {  	p0 =	sne.s32 s23, $0xFE00;
	[tilespmem:s24+$0x80] =	vst v1;
	s24 =	smov.u32 s23;
	s23 =	sadd.s32 $0x200, s23  }
.Ltmp1:
0x32: {  	(pc) =	sbr.rel @p0 .LBB2_4-.Ltmp1, $2  }
0x33: {  	_ =	sdelay $0x2  }
0x34: {  	s24 =	sshra.s32 s24, $0x2  }
0x35: {  	[tilespmem:s24+$0x80] =	vst v1  }
0x36: {  	s23 =	sadd.s32 $0x0, s15;
	[bflag:$0x0] =	sbarrier.arrive $0xFFFF  }
0x37: {  	[tilespmem:s3], [sflag:$0x1] =	stream.linear.gather [hbm4b:s23+s3], $0x80, $0x38;
	[tilespmem:$0x6880] =	vst v63  }
0x38: {  	_ =	swait.ge [sflag:s17], $0x80  }
0x39: {  	[sflag:s17] =	ssyncset.done $0x0  }
0x3a: {  	[sflag:s17] =	ssyncadd.s32 $0xFFFFFF80  }
0x3b: {  	[spmem:s2] =	stream.indirect.scatter.add.f32 [tilespmem:s16], [sflag:$0x1], $0x10, s3, s16, $0xb8;
	[tilespmem:$0x6880] =	vst v63  }
0x3c: {  	_ =	swait.ge [sflag:s17], $0x800  }
0x3d: {  	s24 =	simm.s32 $0x20;
	s23 =	simm.s32 $0x10;
	[sflag:s17] =	ssyncset.done $0x0  }
.LBB2_6:
0x3e: {  	s25 =	sadd.s32 s23, s15  }
0x3f: {  	[sflag:s17] =	ssyncadd.s32 $0xFFFFF800;
	s23 =	smov.u32 s24;
	s26 =	sadd.s32 $0x10, s24  }
0x40: {  	[tilespmem:s3], [sflag:$0x1] =	stream.linear.gather [hbm4b:s25+s3], $0x80, $0x38;
	[tilespmem:$0x6880] =	vst v63  }
0x41: {  	p0 =	sne.s32 s24, $0x4F0;
	_ =	swait.ge [sflag:s17], $0x80  }
.Ltmp2:
0x42: {  	[sflag:s17] =	ssyncset.done $0x0;
	(pc) =	sbr.rel @p0 .LBB2_6-.Ltmp2, $4  }
0x43: {  	[sflag:s17] =	ssyncadd.s32 $0xFFFFFF80  }
0x44: {  	[spmem:s2] =	stream.indirect.scatter.add.f32 [tilespmem:s16], [sflag:$0x1], $0x10, s3, s16, $0xb8;
	[tilespmem:$0x6880] =	vst v63  }
0x45: {  	_ =	swait.ge [sflag:s17], $0x800  }
0x46: {  	s24 =	smov.u32 s26;
	[sflag:s17] =	ssyncset.done $0x0  }
0x47: {  	s23 =	sadd.s32 s23, s15;
	[sflag:s17] =	ssyncadd.s32 $0xFFFFF800  }
0x48: {  	[tilespmem:s3], [sflag:$0x1] =	stream.linear.gather [hbm4b:s23+s3], $0x80, $0x38;
	[tilespmem:$0x6880] =	vst v63  }
0x49: {  	_ =	swait.ge [sflag:s17], $0x80  }
0x4a: {  	[sflag:s17] =	ssyncset.done $0x0  }
0x4b: {  	[sflag:s17] =	ssyncadd.s32 $0xFFFFFF80  }
0x4c: {  	[spmem:s2] =	stream.indirect.scatter.add.f32 [tilespmem:s16], [sflag:$0x1], $0x10, s3, s16, $0xb8;
	[tilespmem:$0x6880] =	vst v63  }
0x4d: {  	_ =	swait.ge [sflag:s17], $0x800  }
0x4e: {  	[sflag:s17] =	ssyncset.done $0x0  }
0x4f: {  	s31 =	sshll.u32 s1, $0x6;
	[sflag:s17] =	ssyncadd.s32 $0xFFFFF800  }
0x50: {  	s24 =	sshrl.u32 s4, $0x3;
	s23 =	sor.u32 $0x1C01, s31;
	[bflag:$0x0] =	sbarrier.arrive $0xFFFF  }
0x51: {  	[hbm:s5], [sflag:s23] =	dma.local [spmem:s24], $0x800  }
0x52: {  	_ =	swait.ge [sflag:s17], $0x800  }
0x53: {  	[sflag:s17] =	ssyncset.done $0x0  }
0x54: {  	[sflag:s17] =	ssyncadd.s32 $0xFFFFF800  }
0x55: {  	[hbm:s11], [sflag:s23] =	dma.local [spmem:s18], $0x800  }
0x56: {  	_ =	swait.ge [sflag:s17], $0x800  }
0x57: {  	[sflag:s17] =	ssyncset.done $0x0  }
0x58: {  	[sflag:s17] =	ssyncadd.s32 $0xFFFFF800  }
0x59: {  	[hbm:s12], [sflag:s23] =	dma.local [spmem:s19], $0x800  }
0x5a: {  	_ =	swait.ge [sflag:s17], $0x800  }
0x5b: {  	[sflag:s17] =	ssyncset.done $0x0  }
0x5c: {  	[sflag:s17] =	ssyncadd.s32 $0xFFFFF800  }
0x5d: {  	[hbm:s13], [sflag:s23] =	dma.local [spmem:s20], $0x800  }
0x5e: {  	s22 =	sadd.s32 $0x1, s22;
	_ =	swait.ge [sflag:s17], $0x800  }
0x5f: {  	p0 =	sne.s32 s22, s6;
	[sflag:s17] =	ssyncset.done $0x0  }
.Ltmp3:
0x60: {  	[sflag:s17] =	ssyncadd.s32 $0xFFFFF800;
	(pc) =	sbr.rel @p0 .LBB2_1-.Ltmp3, $4  }
0x61: {  	[hbm:s14], [sflag:s23] =	dma.local [spmem:s21], $0x800  }
0x62: {  	_ =	swait.ge [sflag:s17], $0x800  }
0x63: {  	[sflag:s17] =	ssyncset.done $0x0  }
0x64: {  	[sflag:s17] =	ssyncadd.s32 $0xFFFFF800  }
0x65: {  	_ =	sfence.sel $0x180000  }
0x66: {  	[bflag:$0x0] =	sbarrier.arrive $0xFFFF  }
0x67: {  	p0 =	sne.s32 s1, $0x0;
	_ =	strace $0x90000047  }
0x68: {  	s0 =	sadd.s32 @!p0 $0x100000, s0;
	[bflag:$0x2] =	sbarrier.arrive $0xFFFF  }
0x69: {  	[sflag:s0] =	ssyncadd.tile.s32 @!p0 $0x1;
	_ =	shalt  }
.Lfunc_end2:
_tile_overlayer_lowered:
.L_overlay_start_2:
0x6a: {  	(tag) =	ssettag $0x2  }
0x6b: {  	s0 =	rddreg [dreg:$0x0];
	s2 =	stileid.u32  }
0x6c: {  	s1 =	rddreg [dreg:$0x1];
	p0 =	sne.s32 s2, $0x0  }
0x6d: {  	s3 =	rddreg [dreg:$0x2];
	[bflag:$0x3] =	sbarrier.arrive $0xFFFF;
	s2 =	simm.s32 @!p0 $0x1C01  }
0x6e: {  	[timem:s3], [sflag:s2] =	dma.local @!p0 [hbm:s0], s1  }
0x6f: {  	s0 =	simm.s32 @!p0 $0x1  }
0x70: {  	_ =	swait.ge @!p0 [sflag:s0], s1  }
0x71: {  	s1 =	ssub.s32 @!p0 $0x0, s1;
	[sflag:s0] =	ssyncset.done @!p0 $0x0  }
0x72: {  	[sflag:s0] =	ssyncadd.s32 @!p0 s1  }
0x73: {  	[bflag:$0x3] =	sbarrier.arrive $0xFFFF  }
0x74: {  	_ =	shalt  }

</sc_bundles>
